<compile_context>
chip_gen: v7x
topology: tpu7x:2x2x1
jax: 0.10.2.dev20260603
libtpu: 0.0.44.dev20260713+nightly
codegen_flags: <defaults>
</compile_context>

<pallas_src>
import functools

import jax
import jax.numpy as jnp
from jax import lax
from jax.experimental import pallas as pl
from jax.experimental.pallas import tpu as pltpu
from jax.experimental.pallas import tpu_sc as plsc

N_NODES = 10000
N_EDGES = 320000
D = 128

NC = 2
NS = 16
NW = NC * NS

CHUNK = 128
N_CHUNKS = N_EDGES // CHUNK
NBUF = 3
CPT = N_CHUNKS // NW
N_EXTRA = N_CHUNKS - CPT * NW
T_GROUPS = CPT // NBUF
IDX_CLAMP = N_CHUNKS - NBUF
RB = 40
N_RBLOCKS = N_NODES // RB

_mesh = plsc.VectorSubcoreMesh(core_axis_name="c", subcore_axis_name="s")


@functools.partial(
    pl.kernel,
    out_type=jax.ShapeDtypeStruct((NC * N_NODES, D), jnp.float32),
    mesh=_mesh,
    scratch_types=[
        [pltpu.VMEM((NBUF, 1, CHUNK), jnp.int32) for _ in range(2)],
        [pltpu.VMEM((NBUF, 1, CHUNK), jnp.int32) for _ in range(2)],
        [pltpu.VMEM((CHUNK, D), jnp.float32) for _ in range(NBUF)],
        pltpu.VMEM_SHARED((N_NODES, D), jnp.float32),
        [pltpu.SemaphoreType.DMA for _ in range(NBUF)],
        [pltpu.SemaphoreType.DMA for _ in range(NBUF)],
        [pltpu.SemaphoreType.DMA for _ in range(2)],
        pltpu.SemaphoreType.DMA,
    ],
)
def _sc_aggregate(x_hbm, src_hbm, dst_hbm, out_hbm,
                  sblk, dblk, rows, acc_sh, sg, ss, si, sz):
    c = lax.axis_index("c")
    s = lax.axis_index("s")
    wid = s * NC + c

    zeros16 = jnp.zeros((16,), jnp.float32)

    def zstore(i, carry):
        rows[0][i // 8, pl.ds((i % 8) * 16, 16)] = zeros16
        return carry

    lax.fori_loop(0, RB * 8, zstore, 0)

    nrb = N_RBLOCKS // NS + jnp.where(s < N_RBLOCKS % NS, 1, 0)
    zsrc = rows[0].at[pl.ds(0, RB)]

    def zfire(i, carry):
        pltpu.async_copy(zsrc, acc_sh.at[pl.ds((s + i * NS) * RB, RB)], sz)
        return carry

    def zdrain(i, carry):
        pltpu.make_async_copy(zsrc, acc_sh.at[pl.ds(0, RB)], sz).wait()
        return carry

    lax.fori_loop(0, nrb, zfire, 0)

    cstart = CPT * wid + jnp.minimum(wid, N_EXTRA)

    def idxload(p, g):
        row = jnp.minimum(cstart + NBUF * g, IDX_CLAMP)
        pltpu.async_copy(src_hbm.at[pl.ds(row, NBUF)], sblk[p], si[p])
        pltpu.async_copy(dst_hbm.at[pl.ds(row, NBUF)], dblk[p], si[p])

    def idxwait(p):
        pltpu.make_async_copy(src_hbm.at[pl.ds(0, NBUF)], sblk[p], si[p]).wait()
        pltpu.make_async_copy(dst_hbm.at[pl.ds(0, NBUF)], dblk[p], si[p]).wait()

    def fire_gather(p, b):
        pltpu.async_copy(x_hbm.at[sblk[p].at[b].at[0]], rows[b], sg[b])

    def wait_gather(p, b):
        pltpu.make_async_copy(x_hbm.at[sblk[p].at[b].at[0]], rows[b], sg[b]).wait()

    def fire_scatter(p, b):
        pltpu.async_copy(rows[b], acc_sh.at[dblk[p].at[b].at[0]], ss[b], add=True)

    def wait_scatter(p, b):
        pltpu.make_async_copy(rows[b], acc_sh.at[dblk[p].at[b].at[0]], ss[b]).wait()

    idxload(0, 0)
    idxwait(0)
    fire_gather(0, 1)
    fire_gather(0, 2)
    lax.fori_loop(0, nrb, zdrain, 0)
    fire_gather(0, 0)
    idxload(1, 1)

    plsc.subcore_barrier()

    def body(u, carry):
        for b in range(NBUF):
            wait_gather(0, b)
            fire_scatter(0, b)
        idxwait(1)
        for b in range(NBUF):
            wait_scatter(0, b)
            fire_gather(1, b)
        idxload(0, 2 * u + 2)
        for b in range(NBUF):
            wait_gather(1, b)
            fire_scatter(1, b)
        idxwait(0)
        for b in range(NBUF):
            wait_scatter(1, b)
            fire_gather(0, b)
        idxload(1, 2 * u + 3)
        return carry

    lax.fori_loop(0, T_GROUPS // 2, body, 0)

    for b in range(NBUF):
        wait_gather(0, b)
    idxwait(1)

    @pl.when(wid < N_EXTRA)
    def _():
        fire_scatter(0, 0)
        wait_scatter(0, 0)

    plsc.subcore_barrier()

    def ffire(i, carry):
        r0 = (s + i * NS) * RB
        pltpu.async_copy(
            acc_sh.at[pl.ds(r0, RB)],
            out_hbm.at[pl.ds(c * N_NODES + r0, RB)],
            sz,
        )
        return carry

    def fdrain(i, carry):
        pltpu.make_async_copy(
            acc_sh.at[pl.ds(0, RB)], out_hbm.at[pl.ds(0, RB)], sz,
        ).wait()
        return carry

    lax.fori_loop(0, nrb, ffire, 0)
    lax.fori_loop(0, nrb, fdrain, 0)


def _mm_body(p0_ref, p1_ref, w_ref, o_ref):
    o_ref[...] = jnp.dot(
        p0_ref[...] + p1_ref[...], w_ref[...],
        preferred_element_type=jnp.float32,
    )


_BM = 2000
_NBLK = N_NODES // _BM


def _tc_matmul(partials, W):
    return pl.pallas_call(
        _mm_body,
        grid=(_NBLK,),
        in_specs=[
            pl.BlockSpec((_BM, D), lambda i: (i, 0)),
            pl.BlockSpec((_BM, D), lambda i: (i + _NBLK, 0)),
            pl.BlockSpec((D, D), lambda i: (0, 0)),
        ],
        out_specs=pl.BlockSpec((_BM, D), lambda i: (i, 0)),
        out_shape=jax.ShapeDtypeStruct((N_NODES, D), jnp.float32),
    )(partials, partials, W)


@jax.jit
def kernel(x, edge_index, W):
    src3 = edge_index[0].astype(jnp.int32).reshape(N_CHUNKS, 1, CHUNK)
    dst3 = edge_index[1].astype(jnp.int32).reshape(N_CHUNKS, 1, CHUNK)
    partials = _sc_aggregate(x, src3, dst3)
    return _tc_matmul(partials, W)

# --- scband reference (transcript-rebuilt; emitter-appended) ---
"""Pipeline reference for scband-gcnconv-90924457656718 (READ-ONLY COPY).

The authoritative reference and input builder live on the scoring server;
editing this copy changes nothing except your own understanding.
"""

import jax, jax.numpy as jnp
import numpy as np

N_NODES = 10000
N_EDGES = 320000
D_IN = 128
D_OUT = 128


def setup_inputs(seed: int = 0) -> dict:
    key = jax.random.key(seed)
    k1, k2, k3 = jax.random.split(key, 3)
    x = jax.random.normal(k1, (N_NODES, D_IN), dtype=jnp.float32)
    edge_index = jax.random.randint(k2, (2, N_EDGES), 0, N_NODES, dtype=jnp.int64)
    # Learned weight, kaiming-uniform-like init as in the torch module
    limit = np.sqrt(6.0 / D_IN)
    W = jax.random.uniform(k3, (D_IN, D_OUT), dtype=jnp.float32, minval=-limit, maxval=limit)
    return {"x": x, "edge_index": edge_index, "W": W}


def reference(x, edge_index, W):
    # Single-device collapse of the 3D-parallel GCNConv forward:
    #   H = _gather(x)            -> identity (one shard)
    #   AGG = torch.sparse.mm(A, H) -> COO SpMM via gather + segment_sum
    #   all_reduce(AGG)           -> identity
    #   OUT = AGG @ W             -> dense matmul
    #   all_reduce(OUT)           -> identity
    src = edge_index[0]
    dst = edge_index[1]
    msgs = jnp.take(x, src, axis=0)                 # gather source features (edge values = 1)
    agg = jax.ops.segment_sum(msgs, dst, num_segments=x.shape[0])  # scatter-add to dst rows
    out = agg @ W
    return out

if __name__ == "__main__":
    import jax
    _d = setup_inputs()
    print(jax.jit(kernel)(*tuple(_d.values())))

</pallas_src>

<mosaic_0001>
#map = affine_map<(d0, d1) -> (0, 0)>
#map1 = affine_map<(d0, d1) -> (0, 0, 0)>
module attributes {stable_mosaic.version = 14 : i64} {
  func.func @_sc_aggregate(%arg0: i32, %arg1: i32, %arg2: memref<10000x128xf32, #tpu.memory_space<hbm>>, %arg3: memref<2500x1x128xi32, #tpu.memory_space<hbm>>, %arg4: memref<2500x1x128xi32, #tpu.memory_space<hbm>>, %arg5: memref<20000x128xf32, #tpu.memory_space<hbm>>, %arg6: memref<3x1x128xi32, #tpu.memory_space<vmem>>, %arg7: memref<3x1x128xi32, #tpu.memory_space<vmem>>, %arg8: memref<3x1x128xi32, #tpu.memory_space<vmem>>, %arg9: memref<3x1x128xi32, #tpu.memory_space<vmem>>, %arg10: memref<128x128xf32, #tpu.memory_space<vmem>>, %arg11: memref<128x128xf32, #tpu.memory_space<vmem>>, %arg12: memref<128x128xf32, #tpu.memory_space<vmem>>, %arg13: memref<10000x128xf32, #tpu.memory_space<vmem_shared>>, %arg14: memref<!tpu.dma_semaphore, #tpu.memory_space<semaphore_mem>>, %arg15: memref<!tpu.dma_semaphore, #tpu.memory_space<semaphore_mem>>, %arg16: memref<!tpu.dma_semaphore, #tpu.memory_space<semaphore_mem>>, %arg17: memref<!tpu.dma_semaphore, #tpu.memory_space<semaphore_mem>>, %arg18: memref<!tpu.dma_semaphore, #tpu.memory_space<semaphore_mem>>, %arg19: memref<!tpu.dma_semaphore, #tpu.memory_space<semaphore_mem>>, %arg20: memref<!tpu.dma_semaphore, #tpu.memory_space<semaphore_mem>>, %arg21: memref<!tpu.dma_semaphore, #tpu.memory_space<semaphore_mem>>, %arg22: memref<!tpu.dma_semaphore, #tpu.memory_space<semaphore_mem>>) attributes {dimension_semantics = [#tpu.dimension_semantics<core_parallel>, #tpu.dimension_semantics<subcore_parallel>], iteration_bounds = array<i64: 2, 16>, scalar_prefetch = 0 : i64, scratch_operands = 17 : i64, tpu.core_type = #tpu.core_type<sc_vector_subcore>, window_params = [{transform_indices = #map}, {transform_indices = #map1}, {transform_indices = #map1}, {transform_indices = #map}]} {
    %mul3A = arith.constant 2 : i32
    %mul3A_0 = arith.muli %arg1, %mul3A : i32
    %add3A = arith.addi %mul3A_0, %arg0 : i32
    %broadcast_in_dim3A = arith.constant 0.000000e+00 : f32
    %broadcast_in_dim3A_1 = vector.broadcast %broadcast_in_dim3A : f32 to vector<16xf32>
    %scan3A = arith.constant 0 : i32
    %scan3A_2 = arith.constant 0 : i32
    %scan3A_3 = arith.constant 320 : i32
    %scan3A_4 = arith.addi %scan3A_2, %scan3A_3 : i32
    %scan3A_5 = arith.constant 1 : i32
    scf.for %scan3A_198 = %scan3A_2 to %scan3A_4 step %scan3A_5  : i32 {
      %jit3A_199 = arith.constant 8 : i32
      %div3A = arith.divsi %scan3A_198, %jit3A_199 : i32
      %sign3A = arith.constant 0 : i32
      %sign3A_200 = arith.cmpi sgt, %scan3A_198, %sign3A : i32
      %sign3A_201 = arith.extui %sign3A_200 : i1 to i32
      %sign3A_202 = arith.constant 0 : i32
      %sign3A_203 = arith.cmpi slt, %scan3A_198, %sign3A_202 : i32
      %sign3A_204 = arith.extui %sign3A_203 : i1 to i32
      %sign3A_205 = arith.subi %sign3A_201, %sign3A_204 : i32
      %sign3A_206 = arith.constant 0 : i32
      %sign3A_207 = arith.cmpi sgt, %jit3A_199, %sign3A_206 : i32
      %sign3A_208 = arith.extui %sign3A_207 : i1 to i32
      %sign3A_209 = arith.constant 0 : i32
      %sign3A_210 = arith.cmpi slt, %jit3A_199, %sign3A_209 : i32
      %sign3A_211 = arith.extui %sign3A_210 : i1 to i32
      %sign3A_212 = arith.subi %sign3A_208, %sign3A_211 : i32
      %ne3A = arith.cmpi ne, %sign3A_205, %sign3A_212 : i32
      %rem3A = arith.remsi %scan3A_198, %jit3A_199 : i32
      %ne3A_213 = arith.constant 0 : i32
      %ne3A_214 = arith.cmpi ne, %rem3A, %ne3A_213 : i32
      %and3A = arith.andi %ne3A, %ne3A_214 : i1
      %sub3A = arith.constant 1 : i32
      %sub3A_215 = arith.subi %div3A, %sub3A : i32
      %select_n3A_216 = arith.select %and3A, %sub3A_215, %div3A : i32
      %jit3A_217 = arith.constant 8 : i32
      %eq3A = arith.constant 0 : i32
      %eq3A_218 = arith.cmpi eq, %jit3A_217, %eq3A : i32
      %jit3A_219 = arith.constant 1 : i32
      %select_n3A_220 = arith.select %eq3A_218, %jit3A_219, %jit3A_217 : i32
      %rem3A_221 = arith.remsi %scan3A_198, %select_n3A_220 : i32
      %ne3A_222 = arith.constant 0 : i32
      %ne3A_223 = arith.cmpi ne, %rem3A_221, %ne3A_222 : i32
      %lt3A_224 = arith.constant 0 : i32
      %lt3A_225 = arith.cmpi slt, %rem3A_221, %lt3A_224 : i32
      %lt3A_226 = arith.constant 0 : i32
      %lt3A_227 = arith.cmpi slt, %select_n3A_220, %lt3A_226 : i32
      %ne3A_228 = arith.xori %lt3A_225, %lt3A_227 : i1
      %and3A_229 = arith.andi %ne3A_228, %ne3A_223 : i1
      %add3A_230 = arith.addi %rem3A_221, %select_n3A_220 : i32
      %select_n3A_231 = arith.select %and3A_229, %add3A_230, %rem3A_221 : i32
      %mul3A_232 = arith.constant 16 : i32
      %mul3A_233 = arith.muli %select_n3A_231, %mul3A_232 : i32
      %swap3A = arith.index_cast %select_n3A_216 : i32 to index
      %swap3A_234 = arith.index_cast %mul3A_233 : i32 to index
      %swap3A_235 = tpu.vector_load %arg10[%swap3A, %swap3A_234] {strides = array<i32>} : memref<128x128xf32, #tpu.memory_space<vmem>>, vector<1x16xf32>,
      %swap3A_236 = vector.shape_cast %swap3A_235 : vector<1x16xf32> to vector<16xf32>
      %swap3A_237 = vector.shape_cast %broadcast_in_dim3A_1 : vector<16xf32> to vector<1x16xf32>
      tpu.vector_store %arg10[%swap3A, %swap3A_234], %swap3A_237 {strides = array<i32>} : memref<128x128xf32, #tpu.memory_space<vmem>>, vector<1x16xf32>,
    }
    %scan3A_6 = arith.constant 320 : i32
    %lt3A = arith.constant 10 : i32
    %lt3A_7 = arith.cmpi slt, %arg1, %lt3A : i32
    %jit3A = arith.constant 1 : i32
    %jit3A_8 = arith.constant 0 : i32
    %select_n3A = arith.select %lt3A_7, %jit3A, %jit3A_8 : i32
    %add3A_9 = arith.constant 15 : i32
    %add3A_10 = arith.addi %add3A_9, %select_n3A : i32
    %while3A = arith.constant 0 : i32
    %while3A_11 = arith.constant 0 : i32
    %while3A_12 = arith.subi %add3A_10, %while3A_11 : i32
    %while3A_13 = arith.addi %while3A_11, %while3A_12 : i32
    %while3A_14 = arith.constant 1 : i32
    %while3A_15 = arith.divsi %while3A_12, %while3A_14 : i32
    %while3A_16 = arith.muli %while3A_15, %while3A_14 : i32
    %while3A_17 = arith.addi %while3A_11, %while3A_16 : i32
    %while3A_18 = arith.constant 1 : i32
    scf.for %while3A_198 = %while3A_11 to %while3A_17 step %while3A_18  : i32 {
      %mul3A_199 = arith.constant 16 : i32
      %mul3A_200 = arith.muli %while3A_198, %mul3A_199 : i32
      %add3A_201 = arith.addi %arg1, %mul3A_200 : i32
      %mul3A_202 = arith.constant 40 : i32
      %mul3A_203 = arith.muli %add3A_201, %mul3A_202 : i32
      %dma_start3A_204 = arith.constant 0 : i32
      %dma_start3A_205 = arith.constant 0 : i32
      %dma_start3A_206 = tpu.memref_slice %arg10[%dma_start3A_204, %dma_start3A_205] : memref<128x128xf32, #tpu.memory_space<vmem>> -> memref<40x128xf32, #tpu.memory_space<vmem>>
      %dma_start3A_207 = arith.constant 0 : i32
      %dma_start3A_208 = tpu.memref_slice %arg13[%mul3A_203, %dma_start3A_207] : memref<10000x128xf32, #tpu.memory_space<vmem_shared>> -> memref<40x128xf32, #tpu.memory_space<vmem_shared>>
      %dma_start3A_209 = arith.constant 0 : i32
      %dma_start3A_210 = tpu.memref_slice %arg13[%mul3A_203, %dma_start3A_209] : memref<10000x128xf32, #tpu.memory_space<vmem_shared>> -> memref<40x128xf32, #tpu.memory_space<vmem_shared>>
      %dma_start3A_211 = arith.constant 0 : i32
      %dma_start3A_212 = arith.constant 0 : i32
      %dma_start3A_213 = tpu.memref_slice %arg10[%dma_start3A_211, %dma_start3A_212] : memref<128x128xf32, #tpu.memory_space<vmem>> -> memref<40x128xf32, #tpu.memory_space<vmem>>
      tpu.enqueue_dma source(%dma_start3A_213 : memref<40x128xf32, #tpu.memory_space<vmem>>) target(%dma_start3A_210 : memref<40x128xf32, #tpu.memory_space<vmem_shared>>) target_semaphore(%arg22 : memref<!tpu.dma_semaphore, #tpu.memory_space<semaphore_mem>>)
    }
    %while3A_19 = arith.constant 1 : i32
    scf.for %while3A_198 = %while3A_17 to %while3A_13 step %while3A_19  : i32 {
      %mul3A_199 = arith.constant 16 : i32
      %mul3A_200 = arith.muli %while3A_198, %mul3A_199 : i32
      %add3A_201 = arith.addi %arg1, %mul3A_200 : i32
      %mul3A_202 = arith.constant 40 : i32
      %mul3A_203 = arith.muli %add3A_201, %mul3A_202 : i32
      %dma_start3A_204 = arith.constant 0 : i32
      %dma_start3A_205 = arith.constant 0 : i32
      %dma_start3A_206 = tpu.memref_slice %arg10[%dma_start3A_204, %dma_start3A_205] : memref<128x128xf32, #tpu.memory_space<vmem>> -> memref<40x128xf32, #tpu.memory_space<vmem>>
      %dma_start3A_207 = arith.constant 0 : i32
      %dma_start3A_208 = tpu.memref_slice %arg13[%mul3A_203, %dma_start3A_207] : memref<10000x128xf32, #tpu.memory_space<vmem_shared>> -> memref<40x128xf32, #tpu.memory_space<vmem_shared>>
      %dma_start3A_209 = arith.constant 0 : i32
      %dma_start3A_210 = tpu.memref_slice %arg13[%mul3A_203, %dma_start3A_209] : memref<10000x128xf32, #tpu.memory_space<vmem_shared>> -> memref<40x128xf32, #tpu.memory_space<vmem_shared>>
      %dma_start3A_211 = arith.constant 0 : i32
      %dma_start3A_212 = arith.constant 0 : i32
      %dma_start3A_213 = tpu.memref_slice %arg10[%dma_start3A_211, %dma_start3A_212] : memref<128x128xf32, #tpu.memory_space<vmem>> -> memref<40x128xf32, #tpu.memory_space<vmem>>
      tpu.enqueue_dma source(%dma_start3A_213 : memref<40x128xf32, #tpu.memory_space<vmem>>) target(%dma_start3A_210 : memref<40x128xf32, #tpu.memory_space<vmem_shared>>) target_semaphore(%arg22 : memref<!tpu.dma_semaphore, #tpu.memory_space<semaphore_mem>>)
    }
    %mul3A_20 = arith.constant 78 : i32
    %mul3A_21 = arith.muli %mul3A_20, %add3A : i32
    %min3A = arith.constant 4 : i32
    %min3A_22 = arith.minsi %add3A, %min3A : i32
    %add3A_23 = arith.addi %mul3A_21, %min3A_22 : i32
    %add3A_24 = arith.constant 0 : i32
    %add3A_25 = arith.addi %add3A_23, %add3A_24 : i32
    %min3A_26 = arith.constant 2497 : i32
    %min3A_27 = arith.minsi %add3A_25, %min3A_26 : i32
    %dma_start3A = arith.constant 0 : i32
    %dma_start3A_28 = arith.constant 0 : i32
    %dma_start3A_29 = tpu.memref_slice %arg3[%min3A_27, %dma_start3A, %dma_start3A_28] : memref<2500x1x128xi32, #tpu.memory_space<hbm>> -> memref<3x1x128xi32, #tpu.memory_space<hbm>>
    %dma_start3A_30 = arith.constant 0 : i32
    %dma_start3A_31 = arith.constant 0 : i32
    %dma_start3A_32 = tpu.memref_slice %arg3[%min3A_27, %dma_start3A_30, %dma_start3A_31] : memref<2500x1x128xi32, #tpu.memory_space<hbm>> -> memref<3x1x128xi32, #tpu.memory_space<hbm>>
    tpu.enqueue_dma source(%dma_start3A_32 : memref<3x1x128xi32, #tpu.memory_space<hbm>>) target(%arg6 : memref<3x1x128xi32, #tpu.memory_space<vmem>>) target_semaphore(%arg20 : memref<!tpu.dma_semaphore, #tpu.memory_space<semaphore_mem>>)
    %dma_start3A_33 = arith.constant 0 : i32
    %dma_start3A_34 = arith.constant 0 : i32
    %dma_start3A_35 = tpu.memref_slice %arg4[%min3A_27, %dma_start3A_33, %dma_start3A_34] : memref<2500x1x128xi32, #tpu.memory_space<hbm>> -> memref<3x1x128xi32, #tpu.memory_space<hbm>>
    %dma_start3A_36 = arith.constant 0 : i32
    %dma_start3A_37 = arith.constant 0 : i32
    %dma_start3A_38 = tpu.memref_slice %arg4[%min3A_27, %dma_start3A_36, %dma_start3A_37] : memref<2500x1x128xi32, #tpu.memory_space<hbm>> -> memref<3x1x128xi32, #tpu.memory_space<hbm>>
    tpu.enqueue_dma source(%dma_start3A_38 : memref<3x1x128xi32, #tpu.memory_space<hbm>>) target(%arg8 : memref<3x1x128xi32, #tpu.memory_space<vmem>>) target_semaphore(%arg20 : memref<!tpu.dma_semaphore, #tpu.memory_space<semaphore_mem>>)
    %dma_wait3A = arith.constant 0 : i32
    %dma_wait3A_39 = arith.constant 0 : i32
    %dma_wait3A_40 = arith.constant 0 : i32
    %dma_wait3A_41 = tpu.memref_slice %arg3[%dma_wait3A, %dma_wait3A_39, %dma_wait3A_40] : memref<2500x1x128xi32, #tpu.memory_space<hbm>> -> memref<3x1x128xi32, #tpu.memory_space<hbm>>
    %dma_wait3A_42 = arith.constant 0 : i32
    %dma_wait3A_43 = arith.constant 0 : i32
    %dma_wait3A_44 = arith.constant 0 : i32
    %dma_wait3A_45 = tpu.memref_slice %arg3[%dma_wait3A_42, %dma_wait3A_43, %dma_wait3A_44] : memref<2500x1x128xi32, #tpu.memory_space<hbm>> -> memref<3x1x128xi32, #tpu.memory_space<hbm>>
    tpu.wait_dma2 semaphore(%arg20 : memref<!tpu.dma_semaphore, #tpu.memory_space<semaphore_mem>>) src(%dma_wait3A_45 : memref<3x1x128xi32, #tpu.memory_space<hbm>>) dst(%arg6 : memref<3x1x128xi32, #tpu.memory_space<vmem>>)
    %dma_wait3A_46 = arith.constant 0 : i32
    %dma_wait3A_47 = arith.constant 0 : i32
    %dma_wait3A_48 = arith.constant 0 : i32
    %dma_wait3A_49 = tpu.memref_slice %arg4[%dma_wait3A_46, %dma_wait3A_47, %dma_wait3A_48] : memref<2500x1x128xi32, #tpu.memory_space<hbm>> -> memref<3x1x128xi32, #tpu.memory_space<hbm>>
    %dma_wait3A_50 = arith.constant 0 : i32
    %dma_wait3A_51 = arith.constant 0 : i32
    %dma_wait3A_52 = arith.constant 0 : i32
    %dma_wait3A_53 = tpu.memref_slice %arg4[%dma_wait3A_50, %dma_wait3A_51, %dma_wait3A_52] : memref<2500x1x128xi32, #tpu.memory_space<hbm>> -> memref<3x1x128xi32, #tpu.memory_space<hbm>>
    tpu.wait_dma2 semaphore(%arg20 : memref<!tpu.dma_semaphore, #tpu.memory_space<semaphore_mem>>) src(%dma_wait3A_53 : memref<3x1x128xi32, #tpu.memory_space<hbm>>) dst(%arg8 : memref<3x1x128xi32, #tpu.memory_space<vmem>>)
    %dma_start3A_54 = arith.constant 1 : i32
    %dma_start3A_55 = arith.constant 0 : i32
    %dma_start3A_56 = arith.constant 0 : i32
    %dma_start3A_57 = arith.constant 0 : i32
    %dma_start3A_58 = tpu.memref_slice %arg6[%dma_start3A_54, %dma_start3A_56, %dma_start3A_57] : memref<3x1x128xi32, #tpu.memory_space<vmem>> -> memref<1x1x128xi32, #tpu.memory_space<vmem>>
    %dma_start3A_59 = tpu.memref_squeeze %dma_start3A_58 : memref<1x1x128xi32, #tpu.memory_space<vmem>> -> memref<1x128xi32, #tpu.memory_space<vmem>>
    %dma_start3A_60 = arith.constant 0 : i32
    %dma_start3A_61 = tpu.memref_slice %dma_start3A_59[%dma_start3A_55, %dma_start3A_60] : memref<1x128xi32, #tpu.memory_space<vmem>> -> memref<1x128xi32, #tpu.memory_space<vmem>>
    %dma_start3A_62 = tpu.memref_squeeze %dma_start3A_61 : memref<1x128xi32, #tpu.memory_space<vmem>> -> memref<128xi32, #tpu.memory_space<vmem>>
    %dma_start3A_63 = arith.constant 0 : i32
    %dma_start3A_64 = arith.constant 0 : i32
    %dma_start3A_65 = tpu.memref_slice %arg2[%dma_start3A_63, %dma_start3A_64] : memref<10000x128xf32, #tpu.memory_space<hbm>> -> memref<10000x128xf32, #tpu.memory_space<hbm>>
    tpu.enqueue_indirect_dma source(%dma_start3A_65 : memref<10000x128xf32, #tpu.memory_space<hbm>>) target(%arg11 : memref<128x128xf32, #tpu.memory_space<vmem>>) offsets(%dma_start3A_62 : memref<128xi32, #tpu.memory_space<vmem>>) semaphore(%arg15 : memref<!tpu.dma_semaphore, #tpu.memory_space<semaphore_mem>>)
    %dma_start3A_66 = arith.constant 2 : i32
    %dma_start3A_67 = arith.constant 0 : i32
    %dma_start3A_68 = arith.constant 0 : i32
    %dma_start3A_69 = arith.constant 0 : i32
    %dma_start3A_70 = tpu.memref_slice %arg6[%dma_start3A_66, %dma_start3A_68, %dma_start3A_69] : memref<3x1x128xi32, #tpu.memory_space<vmem>> -> memref<1x1x128xi32, #tpu.memory_space<vmem>>
    %dma_start3A_71 = tpu.memref_squeeze %dma_start3A_70 : memref<1x1x128xi32, #tpu.memory_space<vmem>> -> memref<1x128xi32, #tpu.memory_space<vmem>>
    %dma_start3A_72 = arith.constant 0 : i32
    %dma_start3A_73 = tpu.memref_slice %dma_start3A_71[%dma_start3A_67, %dma_start3A_72] : memref<1x128xi32, #tpu.memory_space<vmem>> -> memref<1x128xi32, #tpu.memory_space<vmem>>
    %dma_start3A_74 = tpu.memref_squeeze %dma_start3A_73 : memref<1x128xi32, #tpu.memory_space<vmem>> -> memref<128xi32, #tpu.memory_space<vmem>>
    %dma_start3A_75 = arith.constant 0 : i32
    %dma_start3A_76 = arith.constant 0 : i32
    %dma_start3A_77 = tpu.memref_slice %arg2[%dma_start3A_75, %dma_start3A_76] : memref<10000x128xf32, #tpu.memory_space<hbm>> -> memref<10000x128xf32, #tpu.memory_space<hbm>>
    tpu.enqueue_indirect_dma source(%dma_start3A_77 : memref<10000x128xf32, #tpu.memory_space<hbm>>) target(%arg12 : memref<128x128xf32, #tpu.memory_space<vmem>>) offsets(%dma_start3A_74 : memref<128xi32, #tpu.memory_space<vmem>>) semaphore(%arg16 : memref<!tpu.dma_semaphore, #tpu.memory_space<semaphore_mem>>)
    %while3A_78 = arith.constant 0 : i32
    %while3A_79 = arith.constant 0 : i32
    %while3A_80 = arith.subi %add3A_10, %while3A_79 : i32
    %while3A_81 = arith.addi %while3A_79, %while3A_80 : i32
    %while3A_82 = arith.constant 1 : i32
    %while3A_83 = arith.divsi %while3A_80, %while3A_82 : i32
    %while3A_84 = arith.muli %while3A_83, %while3A_82 : i32
    %while3A_85 = arith.addi %while3A_79, %while3A_84 : i32
    %while3A_86 = arith.constant 1 : i32
    scf.for %while3A_198 = %while3A_79 to %while3A_85 step %while3A_86  : i32 {
      %dma_wait3A_199 = arith.constant 0 : i32
      %dma_wait3A_200 = arith.constant 0 : i32
      %dma_wait3A_201 = tpu.memref_slice %arg10[%dma_wait3A_199, %dma_wait3A_200] : memref<128x128xf32, #tpu.memory_space<vmem>> -> memref<40x128xf32, #tpu.memory_space<vmem>>
      %dma_wait3A_202 = arith.constant 0 : i32
      %dma_wait3A_203 = arith.constant 0 : i32
      %dma_wait3A_204 = tpu.memref_slice %arg13[%dma_wait3A_202, %dma_wait3A_203] : memref<10000x128xf32, #tpu.memory_space<vmem_shared>> -> memref<40x128xf32, #tpu.memory_space<vmem_shared>>
      %dma_wait3A_205 = arith.constant 0 : i32
      %dma_wait3A_206 = arith.constant 0 : i32
      %dma_wait3A_207 = tpu.memref_slice %arg13[%dma_wait3A_205, %dma_wait3A_206] : memref<10000x128xf32, #tpu.memory_space<vmem_shared>> -> memref<40x128xf32, #tpu.memory_space<vmem_shared>>
      %dma_wait3A_208 = arith.constant 0 : i32
      %dma_wait3A_209 = arith.constant 0 : i32
      %dma_wait3A_210 = tpu.memref_slice %arg10[%dma_wait3A_208, %dma_wait3A_209] : memref<128x128xf32, #tpu.memory_space<vmem>> -> memref<40x128xf32, #tpu.memory_space<vmem>>
      tpu.wait_dma2 semaphore(%arg22 : memref<!tpu.dma_semaphore, #tpu.memory_space<semaphore_mem>>) src(%dma_wait3A_210 : memref<40x128xf32, #tpu.memory_space<vmem>>) dst(%dma_wait3A_207 : memref<40x128xf32, #tpu.memory_space<vmem_shared>>)
    }
    %while3A_87 = arith.constant 1 : i32
    scf.for %while3A_198 = %while3A_85 to %while3A_81 step %while3A_87  : i32 {
      %dma_wait3A_199 = arith.constant 0 : i32
      %dma_wait3A_200 = arith.constant 0 : i32
      %dma_wait3A_201 = tpu.memref_slice %arg10[%dma_wait3A_199, %dma_wait3A_200] : memref<128x128xf32, #tpu.memory_space<vmem>> -> memref<40x128xf32, #tpu.memory_space<vmem>>
      %dma_wait3A_202 = arith.constant 0 : i32
      %dma_wait3A_203 = arith.constant 0 : i32
      %dma_wait3A_204 = tpu.memref_slice %arg13[%dma_wait3A_202, %dma_wait3A_203] : memref<10000x128xf32, #tpu.memory_space<vmem_shared>> -> memref<40x128xf32, #tpu.memory_space<vmem_shared>>
      %dma_wait3A_205 = arith.constant 0 : i32
      %dma_wait3A_206 = arith.constant 0 : i32
      %dma_wait3A_207 = tpu.memref_slice %arg13[%dma_wait3A_205, %dma_wait3A_206] : memref<10000x128xf32, #tpu.memory_space<vmem_shared>> -> memref<40x128xf32, #tpu.memory_space<vmem_shared>>
      %dma_wait3A_208 = arith.constant 0 : i32
      %dma_wait3A_209 = arith.constant 0 : i32
      %dma_wait3A_210 = tpu.memref_slice %arg10[%dma_wait3A_208, %dma_wait3A_209] : memref<128x128xf32, #tpu.memory_space<vmem>> -> memref<40x128xf32, #tpu.memory_space<vmem>>
      tpu.wait_dma2 semaphore(%arg22 : memref<!tpu.dma_semaphore, #tpu.memory_space<semaphore_mem>>) src(%dma_wait3A_210 : memref<40x128xf32, #tpu.memory_space<vmem>>) dst(%dma_wait3A_207 : memref<40x128xf32, #tpu.memory_space<vmem_shared>>)
    }
    %dma_start3A_88 = arith.constant 0 : i32
    %dma_start3A_89 = arith.constant 0 : i32
    %dma_start3A_90 = arith.constant 0 : i32
    %dma_start3A_91 = arith.constant 0 : i32
    %dma_start3A_92 = tpu.memref_slice %arg6[%dma_start3A_88, %dma_start3A_90, %dma_start3A_91] : memref<3x1x128xi32, #tpu.memory_space<vmem>> -> memref<1x1x128xi32, #tpu.memory_space<vmem>>
    %dma_start3A_93 = tpu.memref_squeeze %dma_start3A_92 : memref<1x1x128xi32, #tpu.memory_space<vmem>> -> memref<1x128xi32, #tpu.memory_space<vmem>>
    %dma_start3A_94 = arith.constant 0 : i32
    %dma_start3A_95 = tpu.memref_slice %dma_start3A_93[%dma_start3A_89, %dma_start3A_94] : memref<1x128xi32, #tpu.memory_space<vmem>> -> memref<1x128xi32, #tpu.memory_space<vmem>>
    %dma_start3A_96 = tpu.memref_squeeze %dma_start3A_95 : memref<1x128xi32, #tpu.memory_space<vmem>> -> memref<128xi32, #tpu.memory_space<vmem>>
    %dma_start3A_97 = arith.constant 0 : i32
    %dma_start3A_98 = arith.constant 0 : i32
    %dma_start3A_99 = tpu.memref_slice %arg2[%dma_start3A_97, %dma_start3A_98] : memref<10000x128xf32, #tpu.memory_space<hbm>> -> memref<10000x128xf32, #tpu.memory_space<hbm>>
    tpu.enqueue_indirect_dma source(%dma_start3A_99 : memref<10000x128xf32, #tpu.memory_space<hbm>>) target(%arg10 : memref<128x128xf32, #tpu.memory_space<vmem>>) offsets(%dma_start3A_96 : memref<128xi32, #tpu.memory_space<vmem>>) semaphore(%arg14 : memref<!tpu.dma_semaphore, #tpu.memory_space<semaphore_mem>>)
    %add3A_100 = arith.constant 3 : i32
    %add3A_101 = arith.addi %add3A_23, %add3A_100 : i32
    %min3A_102 = arith.constant 2497 : i32
    %min3A_103 = arith.minsi %add3A_101, %min3A_102 : i32
    %dma_start3A_104 = arith.constant 0 : i32
    %dma_start3A_105 = arith.constant 0 : i32
    %dma_start3A_106 = tpu.memref_slice %arg3[%min3A_103, %dma_start3A_104, %dma_start3A_105] : memref<2500x1x128xi32, #tpu.memory_space<hbm>> -> memref<3x1x128xi32, #tpu.memory_space<hbm>>
    %dma_start3A_107 = arith.constant 0 : i32
    %dma_start3A_108 = arith.constant 0 : i32
    %dma_start3A_109 = tpu.memref_slice %arg3[%min3A_103, %dma_start3A_107, %dma_start3A_108] : memref<2500x1x128xi32, #tpu.memory_space<hbm>> -> memref<3x1x128xi32, #tpu.memory_space<hbm>>
    tpu.enqueue_dma source(%dma_start3A_109 : memref<3x1x128xi32, #tpu.memory_space<hbm>>) target(%arg7 : memref<3x1x128xi32, #tpu.memory_space<vmem>>) target_semaphore(%arg21 : memref<!tpu.dma_semaphore, #tpu.memory_space<semaphore_mem>>)
    %dma_start3A_110 = arith.constant 0 : i32
    %dma_start3A_111 = arith.constant 0 : i32
    %dma_start3A_112 = tpu.memref_slice %arg4[%min3A_103, %dma_start3A_110, %dma_start3A_111] : memref<2500x1x128xi32, #tpu.memory_space<hbm>> -> memref<3x1x128xi32, #tpu.memory_space<hbm>>
    %dma_start3A_113 = arith.constant 0 : i32
    %dma_start3A_114 = arith.constant 0 : i32
    %dma_start3A_115 = tpu.memref_slice %arg4[%min3A_103, %dma_start3A_113, %dma_start3A_114] : memref<2500x1x128xi32, #tpu.memory_space<hbm>> -> memref<3x1x128xi32, #tpu.memory_space<hbm>>
    tpu.enqueue_dma source(%dma_start3A_115 : memref<3x1x128xi32, #tpu.memory_space<hbm>>) target(%arg9 : memref<3x1x128xi32, #tpu.memory_space<vmem>>) target_semaphore(%arg21 : memref<!tpu.dma_semaphore, #tpu.memory_space<semaphore_mem>>)
    %barrier3A = arith.constant 0 : index
    tpu.barrier barrier_id(%barrier3A)
    %scan3A_116 = arith.constant 0 : i32
    %scan3A_117 = arith.constant 0 : i32
    %scan3A_118 = arith.constant 13 : i32
    %scan3A_119 = arith.addi %scan3A_117, %scan3A_118 : i32
    %scan3A_120 = arith.constant 1 : i32
    scf.for %scan3A_198 = %scan3A_117 to %scan3A_119 step %scan3A_120  : i32 {
      %dma_wait3A_199 = arith.constant 0 : i32
      %dma_wait3A_200 = arith.constant 0 : i32
      %dma_wait3A_201 = arith.constant 0 : i32
      %dma_wait3A_202 = arith.constant 0 : i32
      %dma_wait3A_203 = tpu.memref_slice %arg6[%dma_wait3A_199, %dma_wait3A_201, %dma_wait3A_202] : memref<3x1x128xi32, #tpu.memory_space<vmem>> -> memref<1x1x128xi32, #tpu.memory_space<vmem>>
      %dma_wait3A_204 = tpu.memref_squeeze %dma_wait3A_203 : memref<1x1x128xi32, #tpu.memory_space<vmem>> -> memref<1x128xi32, #tpu.memory_space<vmem>>
      %dma_wait3A_205 = arith.constant 0 : i32
      %dma_wait3A_206 = tpu.memref_slice %dma_wait3A_204[%dma_wait3A_200, %dma_wait3A_205] : memref<1x128xi32, #tpu.memory_space<vmem>> -> memref<1x128xi32, #tpu.memory_space<vmem>>
      %dma_wait3A_207 = tpu.memref_squeeze %dma_wait3A_206 : memref<1x128xi32, #tpu.memory_space<vmem>> -> memref<128xi32, #tpu.memory_space<vmem>>
      %dma_wait3A_208 = arith.constant 0 : i32
      %dma_wait3A_209 = arith.constant 0 : i32
      %dma_wait3A_210 = tpu.memref_slice %arg2[%dma_wait3A_208, %dma_wait3A_209] : memref<10000x128xf32, #tpu.memory_space<hbm>> -> memref<10000x128xf32, #tpu.memory_space<hbm>>
      tpu.wait_indirect_dma semaphore(%arg14 : memref<!tpu.dma_semaphore, #tpu.memory_space<semaphore_mem>>) src(%dma_wait3A_210 : memref<10000x128xf32, #tpu.memory_space<hbm>>) dst(%arg10 : memref<128x128xf32, #tpu.memory_space<vmem>>)
      %dma_start3A_211 = arith.constant 0 : i32
      %dma_start3A_212 = arith.constant 0 : i32
      %dma_start3A_213 = arith.constant 0 : i32
      %dma_start3A_214 = arith.constant 0 : i32
      %dma_start3A_215 = tpu.memref_slice %arg8[%dma_start3A_211, %dma_start3A_213, %dma_start3A_214] : memref<3x1x128xi32, #tpu.memory_space<vmem>> -> memref<1x1x128xi32, #tpu.memory_space<vmem>>
      %dma_start3A_216 = tpu.memref_squeeze %dma_start3A_215 : memref<1x1x128xi32, #tpu.memory_space<vmem>> -> memref<1x128xi32, #tpu.memory_space<vmem>>
      %dma_start3A_217 = arith.constant 0 : i32
      %dma_start3A_218 = tpu.memref_slice %dma_start3A_216[%dma_start3A_212, %dma_start3A_217] : memref<1x128xi32, #tpu.memory_space<vmem>> -> memref<1x128xi32, #tpu.memory_space<vmem>>
      %dma_start3A_219 = tpu.memref_squeeze %dma_start3A_218 : memref<1x128xi32, #tpu.memory_space<vmem>> -> memref<128xi32, #tpu.memory_space<vmem>>
      %dma_start3A_220 = arith.constant 0 : i32
      %dma_start3A_221 = arith.constant 0 : i32
      %dma_start3A_222 = tpu.memref_slice %arg13[%dma_start3A_220, %dma_start3A_221] : memref<10000x128xf32, #tpu.memory_space<vmem_shared>> -> memref<10000x128xf32, #tpu.memory_space<vmem_shared>>
      tpu.enqueue_indirect_dma source(%arg10 : memref<128x128xf32, #tpu.memory_space<vmem>>) target(%dma_start3A_222 : memref<10000x128xf32, #tpu.memory_space<vmem_shared>>) offsets(%dma_start3A_219 : memref<128xi32, #tpu.memory_space<vmem>>) semaphore(%arg17 : memref<!tpu.dma_semaphore, #tpu.memory_space<semaphore_mem>>) {add = true}
      %dma_wait3A_223 = arith.constant 1 : i32
      %dma_wait3A_224 = arith.constant 0 : i32
      %dma_wait3A_225 = arith.constant 0 : i32
      %dma_wait3A_226 = arith.constant 0 : i32
      %dma_wait3A_227 = tpu.memref_slice %arg6[%dma_wait3A_223, %dma_wait3A_225, %dma_wait3A_226] : memref<3x1x128xi32, #tpu.memory_space<vmem>> -> memref<1x1x128xi32, #tpu.memory_space<vmem>>
      %dma_wait3A_228 = tpu.memref_squeeze %dma_wait3A_227 : memref<1x1x128xi32, #tpu.memory_space<vmem>> -> memref<1x128xi32, #tpu.memory_space<vmem>>
      %dma_wait3A_229 = arith.constant 0 : i32
      %dma_wait3A_230 = tpu.memref_slice %dma_wait3A_228[%dma_wait3A_224, %dma_wait3A_229] : memref<1x128xi32, #tpu.memory_space<vmem>> -> memref<1x128xi32, #tpu.memory_space<vmem>>
      %dma_wait3A_231 = tpu.memref_squeeze %dma_wait3A_230 : memref<1x128xi32, #tpu.memory_space<vmem>> -> memref<128xi32, #tpu.memory_space<vmem>>
      %dma_wait3A_232 = arith.constant 0 : i32
      %dma_wait3A_233 = arith.constant 0 : i32
      %dma_wait3A_234 = tpu.memref_slice %arg2[%dma_wait3A_232, %dma_wait3A_233] : memref<10000x128xf32, #tpu.memory_space<hbm>> -> memref<10000x128xf32, #tpu.memory_space<hbm>>
      tpu.wait_indirect_dma semaphore(%arg15 : memref<!tpu.dma_semaphore, #tpu.memory_space<semaphore_mem>>) src(%dma_wait3A_234 : memref<10000x128xf32, #tpu.memory_space<hbm>>) dst(%arg11 : memref<128x128xf32, #tpu.memory_space<vmem>>)
      %dma_start3A_235 = arith.constant 1 : i32
      %dma_start3A_236 = arith.constant 0 : i32
      %dma_start3A_237 = arith.constant 0 : i32
      %dma_start3A_238 = arith.constant 0 : i32
      %dma_start3A_239 = tpu.memref_slice %arg8[%dma_start3A_235, %dma_start3A_237, %dma_start3A_238] : memref<3x1x128xi32, #tpu.memory_space<vmem>> -> memref<1x1x128xi32, #tpu.memory_space<vmem>>
      %dma_start3A_240 = tpu.memref_squeeze %dma_start3A_239 : memref<1x1x128xi32, #tpu.memory_space<vmem>> -> memref<1x128xi32, #tpu.memory_space<vmem>>
      %dma_start3A_241 = arith.constant 0 : i32
      %dma_start3A_242 = tpu.memref_slice %dma_start3A_240[%dma_start3A_236, %dma_start3A_241] : memref<1x128xi32, #tpu.memory_space<vmem>> -> memref<1x128xi32, #tpu.memory_space<vmem>>
      %dma_start3A_243 = tpu.memref_squeeze %dma_start3A_242 : memref<1x128xi32, #tpu.memory_space<vmem>> -> memref<128xi32, #tpu.memory_space<vmem>>
      %dma_start3A_244 = arith.constant 0 : i32
      %dma_start3A_245 = arith.constant 0 : i32
      %dma_start3A_246 = tpu.memref_slice %arg13[%dma_start3A_244, %dma_start3A_245] : memref<10000x128xf32, #tpu.memory_space<vmem_shared>> -> memref<10000x128xf32, #tpu.memory_space<vmem_shared>>
      tpu.enqueue_indirect_dma source(%arg11 : memref<128x128xf32, #tpu.memory_space<vmem>>) target(%dma_start3A_246 : memref<10000x128xf32, #tpu.memory_space<vmem_shared>>) offsets(%dma_start3A_243 : memref<128xi32, #tpu.memory_space<vmem>>) semaphore(%arg18 : memref<!tpu.dma_semaphore, #tpu.memory_space<semaphore_mem>>) {add = true}
      %dma_wait3A_247 = arith.constant 2 : i32
      %dma_wait3A_248 = arith.constant 0 : i32
      %dma_wait3A_249 = arith.constant 0 : i32
      %dma_wait3A_250 = arith.constant 0 : i32
      %dma_wait3A_251 = tpu.memref_slice %arg6[%dma_wait3A_247, %dma_wait3A_249, %dma_wait3A_250] : memref<3x1x128xi32, #tpu.memory_space<vmem>> -> memref<1x1x128xi32, #tpu.memory_space<vmem>>
      %dma_wait3A_252 = tpu.memref_squeeze %dma_wait3A_251 : memref<1x1x128xi32, #tpu.memory_space<vmem>> -> memref<1x128xi32, #tpu.memory_space<vmem>>
      %dma_wait3A_253 = arith.constant 0 : i32
      %dma_wait3A_254 = tpu.memref_slice %dma_wait3A_252[%dma_wait3A_248, %dma_wait3A_253] : memref<1x128xi32, #tpu.memory_space<vmem>> -> memref<1x128xi32, #tpu.memory_space<vmem>>
      %dma_wait3A_255 = tpu.memref_squeeze %dma_wait3A_254 : memref<1x128xi32, #tpu.memory_space<vmem>> -> memref<128xi32, #tpu.memory_space<vmem>>
      %dma_wait3A_256 = arith.constant 0 : i32
      %dma_wait3A_257 = arith.constant 0 : i32
      %dma_wait3A_258 = tpu.memref_slice %arg2[%dma_wait3A_256, %dma_wait3A_257] : memref<10000x128xf32, #tpu.memory_space<hbm>> -> memref<10000x128xf32, #tpu.memory_space<hbm>>
      tpu.wait_indirect_dma semaphore(%arg16 : memref<!tpu.dma_semaphore, #tpu.memory_space<semaphore_mem>>) src(%dma_wait3A_258 : memref<10000x128xf32, #tpu.memory_space<hbm>>) dst(%arg12 : memref<128x128xf32, #tpu.memory_space<vmem>>)
      %dma_start3A_259 = arith.constant 2 : i32
      %dma_start3A_260 = arith.constant 0 : i32
      %dma_start3A_261 = arith.constant 0 : i32
      %dma_start3A_262 = arith.constant 0 : i32
      %dma_start3A_263 = tpu.memref_slice %arg8[%dma_start3A_259, %dma_start3A_261, %dma_start3A_262] : memref<3x1x128xi32, #tpu.memory_space<vmem>> -> memref<1x1x128xi32, #tpu.memory_space<vmem>>
      %dma_start3A_264 = tpu.memref_squeeze %dma_start3A_263 : memref<1x1x128xi32, #tpu.memory_space<vmem>> -> memref<1x128xi32, #tpu.memory_space<vmem>>
      %dma_start3A_265 = arith.constant 0 : i32
      %dma_start3A_266 = tpu.memref_slice %dma_start3A_264[%dma_start3A_260, %dma_start3A_265] : memref<1x128xi32, #tpu.memory_space<vmem>> -> memref<1x128xi32, #tpu.memory_space<vmem>>
      %dma_start3A_267 = tpu.memref_squeeze %dma_start3A_266 : memref<1x128xi32, #tpu.memory_space<vmem>> -> memref<128xi32, #tpu.memory_space<vmem>>
      %dma_start3A_268 = arith.constant 0 : i32
      %dma_start3A_269 = arith.constant 0 : i32
      %dma_start3A_270 = tpu.memref_slice %arg13[%dma_start3A_268, %dma_start3A_269] : memref<10000x128xf32, #tpu.memory_space<vmem_shared>> -> memref<10000x128xf32, #tpu.memory_space<vmem_shared>>
      tpu.enqueue_indirect_dma source(%arg12 : memref<128x128xf32, #tpu.memory_space<vmem>>) target(%dma_start3A_270 : memref<10000x128xf32, #tpu.memory_space<vmem_shared>>) offsets(%dma_start3A_267 : memref<128xi32, #tpu.memory_space<vmem>>) semaphore(%arg19 : memref<!tpu.dma_semaphore, #tpu.memory_space<semaphore_mem>>) {add = true}
      %dma_wait3A_271 = arith.constant 0 : i32
      %dma_wait3A_272 = arith.constant 0 : i32
      %dma_wait3A_273 = arith.constant 0 : i32
      %dma_wait3A_274 = tpu.memref_slice %arg3[%dma_wait3A_271, %dma_wait3A_272, %dma_wait3A_273] : memref<2500x1x128xi32, #tpu.memory_space<hbm>> -> memref<3x1x128xi32, #tpu.memory_space<hbm>>
      %dma_wait3A_275 = arith.constant 0 : i32
      %dma_wait3A_276 = arith.constant 0 : i32
      %dma_wait3A_277 = arith.constant 0 : i32
      %dma_wait3A_278 = tpu.memref_slice %arg3[%dma_wait3A_275, %dma_wait3A_276, %dma_wait3A_277] : memref<2500x1x128xi32, #tpu.memory_space<hbm>> -> memref<3x1x128xi32, #tpu.memory_space<hbm>>
      tpu.wait_dma2 semaphore(%arg21 : memref<!tpu.dma_semaphore, #tpu.memory_space<semaphore_mem>>) src(%dma_wait3A_278 : memref<3x1x128xi32, #tpu.memory_space<hbm>>) dst(%arg7 : memref<3x1x128xi32, #tpu.memory_space<vmem>>)
      %dma_wait3A_279 = arith.constant 0 : i32
      %dma_wait3A_280 = arith.constant 0 : i32
      %dma_wait3A_281 = arith.constant 0 : i32
      %dma_wait3A_282 = tpu.memref_slice %arg4[%dma_wait3A_279, %dma_wait3A_280, %dma_wait3A_281] : memref<2500x1x128xi32, #tpu.memory_space<hbm>> -> memref<3x1x128xi32, #tpu.memory_space<hbm>>
      %dma_wait3A_283 = arith.constant 0 : i32
      %dma_wait3A_284 = arith.constant 0 : i32
      %dma_wait3A_285 = arith.constant 0 : i32
      %dma_wait3A_286 = tpu.memref_slice %arg4[%dma_wait3A_283, %dma_wait3A_284, %dma_wait3A_285] : memref<2500x1x128xi32, #tpu.memory_space<hbm>> -> memref<3x1x128xi32, #tpu.memory_space<hbm>>
      tpu.wait_dma2 semaphore(%arg21 : memref<!tpu.dma_semaphore, #tpu.memory_space<semaphore_mem>>) src(%dma_wait3A_286 : memref<3x1x128xi32, #tpu.memory_space<hbm>>) dst(%arg9 : memref<3x1x128xi32, #tpu.memory_space<vmem>>)
      %dma_wait3A_287 = arith.constant 0 : i32
      %dma_wait3A_288 = arith.constant 0 : i32
      %dma_wait3A_289 = arith.constant 0 : i32
      %dma_wait3A_290 = arith.constant 0 : i32
      %dma_wait3A_291 = tpu.memref_slice %arg8[%dma_wait3A_287, %dma_wait3A_289, %dma_wait3A_290] : memref<3x1x128xi32, #tpu.memory_space<vmem>> -> memref<1x1x128xi32, #tpu.memory_space<vmem>>
      %dma_wait3A_292 = tpu.memref_squeeze %dma_wait3A_291 : memref<1x1x128xi32, #tpu.memory_space<vmem>> -> memref<1x128xi32, #tpu.memory_space<vmem>>
      %dma_wait3A_293 = arith.constant 0 : i32
      %dma_wait3A_294 = tpu.memref_slice %dma_wait3A_292[%dma_wait3A_288, %dma_wait3A_293] : memref<1x128xi32, #tpu.memory_space<vmem>> -> memref<1x128xi32, #tpu.memory_space<vmem>>
      %dma_wait3A_295 = tpu.memref_squeeze %dma_wait3A_294 : memref<1x128xi32, #tpu.memory_space<vmem>> -> memref<128xi32, #tpu.memory_space<vmem>>
      %dma_wait3A_296 = arith.constant 0 : i32
      %dma_wait3A_297 = arith.constant 0 : i32
      %dma_wait3A_298 = tpu.memref_slice %arg13[%dma_wait3A_296, %dma_wait3A_297] : memref<10000x128xf32, #tpu.memory_space<vmem_shared>> -> memref<10000x128xf32, #tpu.memory_space<vmem_shared>>
      tpu.wait_indirect_dma semaphore(%arg17 : memref<!tpu.dma_semaphore, #tpu.memory_space<semaphore_mem>>) src(%arg10 : memref<128x128xf32, #tpu.memory_space<vmem>>) dst(%dma_wait3A_298 : memref<10000x128xf32, #tpu.memory_space<vmem_shared>>)
      %dma_start3A_299 = arith.constant 0 : i32
      %dma_start3A_300 = arith.constant 0 : i32
      %dma_start3A_301 = arith.constant 0 : i32
      %dma_start3A_302 = arith.constant 0 : i32
      %dma_start3A_303 = tpu.memref_slice %arg7[%dma_start3A_299, %dma_start3A_301, %dma_start3A_302] : memref<3x1x128xi32, #tpu.memory_space<vmem>> -> memref<1x1x128xi32, #tpu.memory_space<vmem>>
      %dma_start3A_304 = tpu.memref_squeeze %dma_start3A_303 : memref<1x1x128xi32, #tpu.memory_space<vmem>> -> memref<1x128xi32, #tpu.memory_space<vmem>>
      %dma_start3A_305 = arith.constant 0 : i32
      %dma_start3A_306 = tpu.memref_slice %dma_start3A_304[%dma_start3A_300, %dma_start3A_305] : memref<1x128xi32, #tpu.memory_space<vmem>> -> memref<1x128xi32, #tpu.memory_space<vmem>>
      %dma_start3A_307 = tpu.memref_squeeze %dma_start3A_306 : memref<1x128xi32, #tpu.memory_space<vmem>> -> memref<128xi32, #tpu.memory_space<vmem>>
      %dma_start3A_308 = arith.constant 0 : i32
      %dma_start3A_309 = arith.constant 0 : i32
      %dma_start3A_310 = tpu.memref_slice %arg2[%dma_start3A_308, %dma_start3A_309] : memref<10000x128xf32, #tpu.memory_space<hbm>> -> memref<10000x128xf32, #tpu.memory_space<hbm>>
      tpu.enqueue_indirect_dma source(%dma_start3A_310 : memref<10000x128xf32, #tpu.memory_space<hbm>>) target(%arg10 : memref<128x128xf32, #tpu.memory_space<vmem>>) offsets(%dma_start3A_307 : memref<128xi32, #tpu.memory_space<vmem>>) semaphore(%arg14 : memref<!tpu.dma_semaphore, #tpu.memory_space<semaphore_mem>>)
      %dma_wait3A_311 = arith.constant 1 : i32
      %dma_wait3A_312 = arith.constant 0 : i32
      %dma_wait3A_313 = arith.constant 0 : i32
      %dma_wait3A_314 = arith.constant 0 : i32
      %dma_wait3A_315 = tpu.memref_slice %arg8[%dma_wait3A_311, %dma_wait3A_313, %dma_wait3A_314] : memref<3x1x128xi32, #tpu.memory_space<vmem>> -> memref<1x1x128xi32, #tpu.memory_space<vmem>>
      %dma_wait3A_316 = tpu.memref_squeeze %dma_wait3A_315 : memref<1x1x128xi32, #tpu.memory_space<vmem>> -> memref<1x128xi32, #tpu.memory_space<vmem>>
      %dma_wait3A_317 = arith.constant 0 : i32
      %dma_wait3A_318 = tpu.memref_slice %dma_wait3A_316[%dma_wait3A_312, %dma_wait3A_317] : memref<1x128xi32, #tpu.memory_space<vmem>> -> memref<1x128xi32, #tpu.memory_space<vmem>>
      %dma_wait3A_319 = tpu.memref_squeeze %dma_wait3A_318 : memref<1x128xi32, #tpu.memory_space<vmem>> -> memref<128xi32, #tpu.memory_space<vmem>>
      %dma_wait3A_320 = arith.constant 0 : i32
      %dma_wait3A_321 = arith.constant 0 : i32
      %dma_wait3A_322 = tpu.memref_slice %arg13[%dma_wait3A_320, %dma_wait3A_321] : memref<10000x128xf32, #tpu.memory_space<vmem_shared>> -> memref<10000x128xf32, #tpu.memory_space<vmem_shared>>
      tpu.wait_indirect_dma semaphore(%arg18 : memref<!tpu.dma_semaphore, #tpu.memory_space<semaphore_mem>>) src(%arg11 : memref<128x128xf32, #tpu.memory_space<vmem>>) dst(%dma_wait3A_322 : memref<10000x128xf32, #tpu.memory_space<vmem_shared>>)
      %dma_start3A_323 = arith.constant 1 : i32
      %dma_start3A_324 = arith.constant 0 : i32
      %dma_start3A_325 = arith.constant 0 : i32
      %dma_start3A_326 = arith.constant 0 : i32
      %dma_start3A_327 = tpu.memref_slice %arg7[%dma_start3A_323, %dma_start3A_325, %dma_start3A_326] : memref<3x1x128xi32, #tpu.memory_space<vmem>> -> memref<1x1x128xi32, #tpu.memory_space<vmem>>
      %dma_start3A_328 = tpu.memref_squeeze %dma_start3A_327 : memref<1x1x128xi32, #tpu.memory_space<vmem>> -> memref<1x128xi32, #tpu.memory_space<vmem>>
      %dma_start3A_329 = arith.constant 0 : i32
      %dma_start3A_330 = tpu.memref_slice %dma_start3A_328[%dma_start3A_324, %dma_start3A_329] : memref<1x128xi32, #tpu.memory_space<vmem>> -> memref<1x128xi32, #tpu.memory_space<vmem>>
      %dma_start3A_331 = tpu.memref_squeeze %dma_start3A_330 : memref<1x128xi32, #tpu.memory_space<vmem>> -> memref<128xi32, #tpu.memory_space<vmem>>
      %dma_start3A_332 = arith.constant 0 : i32
      %dma_start3A_333 = arith.constant 0 : i32
      %dma_start3A_334 = tpu.memref_slice %arg2[%dma_start3A_332, %dma_start3A_333] : memref<10000x128xf32, #tpu.memory_space<hbm>> -> memref<10000x128xf32, #tpu.memory_space<hbm>>
      tpu.enqueue_indirect_dma source(%dma_start3A_334 : memref<10000x128xf32, #tpu.memory_space<hbm>>) target(%arg11 : memref<128x128xf32, #tpu.memory_space<vmem>>) offsets(%dma_start3A_331 : memref<128xi32, #tpu.memory_space<vmem>>) semaphore(%arg15 : memref<!tpu.dma_semaphore, #tpu.memory_space<semaphore_mem>>)
      %dma_wait3A_335 = arith.constant 2 : i32
      %dma_wait3A_336 = arith.constant 0 : i32
      %dma_wait3A_337 = arith.constant 0 : i32
      %dma_wait3A_338 = arith.constant 0 : i32
      %dma_wait3A_339 = tpu.memref_slice %arg8[%dma_wait3A_335, %dma_wait3A_337, %dma_wait3A_338] : memref<3x1x128xi32, #tpu.memory_space<vmem>> -> memref<1x1x128xi32, #tpu.memory_space<vmem>>
      %dma_wait3A_340 = tpu.memref_squeeze %dma_wait3A_339 : memref<1x1x128xi32, #tpu.memory_space<vmem>> -> memref<1x128xi32, #tpu.memory_space<vmem>>
      %dma_wait3A_341 = arith.constant 0 : i32
      %dma_wait3A_342 = tpu.memref_slice %dma_wait3A_340[%dma_wait3A_336, %dma_wait3A_341] : memref<1x128xi32, #tpu.memory_space<vmem>> -> memref<1x128xi32, #tpu.memory_space<vmem>>
      %dma_wait3A_343 = tpu.memref_squeeze %dma_wait3A_342 : memref<1x128xi32, #tpu.memory_space<vmem>> -> memref<128xi32, #tpu.memory_space<vmem>>
      %dma_wait3A_344 = arith.constant 0 : i32
      %dma_wait3A_345 = arith.constant 0 : i32
      %dma_wait3A_346 = tpu.memref_slice %arg13[%dma_wait3A_344, %dma_wait3A_345] : memref<10000x128xf32, #tpu.memory_space<vmem_shared>> -> memref<10000x128xf32, #tpu.memory_space<vmem_shared>>
      tpu.wait_indirect_dma semaphore(%arg19 : memref<!tpu.dma_semaphore, #tpu.memory_space<semaphore_mem>>) src(%arg12 : memref<128x128xf32, #tpu.memory_space<vmem>>) dst(%dma_wait3A_346 : memref<10000x128xf32, #tpu.memory_space<vmem_shared>>)
      %dma_start3A_347 = arith.constant 2 : i32
      %dma_start3A_348 = arith.constant 0 : i32
      %dma_start3A_349 = arith.constant 0 : i32
      %dma_start3A_350 = arith.constant 0 : i32
      %dma_start3A_351 = tpu.memref_slice %arg7[%dma_start3A_347, %dma_start3A_349, %dma_start3A_350] : memref<3x1x128xi32, #tpu.memory_space<vmem>> -> memref<1x1x128xi32, #tpu.memory_space<vmem>>
      %dma_start3A_352 = tpu.memref_squeeze %dma_start3A_351 : memref<1x1x128xi32, #tpu.memory_space<vmem>> -> memref<1x128xi32, #tpu.memory_space<vmem>>
      %dma_start3A_353 = arith.constant 0 : i32
      %dma_start3A_354 = tpu.memref_slice %dma_start3A_352[%dma_start3A_348, %dma_start3A_353] : memref<1x128xi32, #tpu.memory_space<vmem>> -> memref<1x128xi32, #tpu.memory_space<vmem>>
      %dma_start3A_355 = tpu.memref_squeeze %dma_start3A_354 : memref<1x128xi32, #tpu.memory_space<vmem>> -> memref<128xi32, #tpu.memory_space<vmem>>
      %dma_start3A_356 = arith.constant 0 : i32
      %dma_start3A_357 = arith.constant 0 : i32
      %dma_start3A_358 = tpu.memref_slice %arg2[%dma_start3A_356, %dma_start3A_357] : memref<10000x128xf32, #tpu.memory_space<hbm>> -> memref<10000x128xf32, #tpu.memory_space<hbm>>
      tpu.enqueue_indirect_dma source(%dma_start3A_358 : memref<10000x128xf32, #tpu.memory_space<hbm>>) target(%arg12 : memref<128x128xf32, #tpu.memory_space<vmem>>) offsets(%dma_start3A_355 : memref<128xi32, #tpu.memory_space<vmem>>) semaphore(%arg16 : memref<!tpu.dma_semaphore, #tpu.memory_space<semaphore_mem>>)
      %mul3A_359 = arith.constant 2 : i32
      %mul3A_360 = arith.muli %mul3A_359, %scan3A_198 : i32
      %add3A_361 = arith.constant 2 : i32
      %add3A_362 = arith.addi %mul3A_360, %add3A_361 : i32
      %mul3A_363 = arith.constant 3 : i32
      %mul3A_364 = arith.muli %mul3A_363, %add3A_362 : i32
      %add3A_365 = arith.addi %add3A_23, %mul3A_364 : i32
      %min3A_366 = arith.constant 2497 : i32
      %min3A_367 = arith.minsi %add3A_365, %min3A_366 : i32
      %dma_start3A_368 = arith.constant 0 : i32
      %dma_start3A_369 = arith.constant 0 : i32
      %dma_start3A_370 = tpu.memref_slice %arg3[%min3A_367, %dma_start3A_368, %dma_start3A_369] : memref<2500x1x128xi32, #tpu.memory_space<hbm>> -> memref<3x1x128xi32, #tpu.memory_space<hbm>>
      %dma_start3A_371 = arith.constant 0 : i32
      %dma_start3A_372 = arith.constant 0 : i32
      %dma_start3A_373 = tpu.memref_slice %arg3[%min3A_367, %dma_start3A_371, %dma_start3A_372] : memref<2500x1x128xi32, #tpu.memory_space<hbm>> -> memref<3x1x128xi32, #tpu.memory_space<hbm>>
      tpu.enqueue_dma source(%dma_start3A_373 : memref<3x1x128xi32, #tpu.memory_space<hbm>>) target(%arg6 : memref<3x1x128xi32, #tpu.memory_space<vmem>>) target_semaphore(%arg20 : memref<!tpu.dma_semaphore, #tpu.memory_space<semaphore_mem>>)
      %dma_start3A_374 = arith.constant 0 : i32
      %dma_start3A_375 = arith.constant 0 : i32
      %dma_start3A_376 = tpu.memref_slice %arg4[%min3A_367, %dma_start3A_374, %dma_start3A_375] : memref<2500x1x128xi32, #tpu.memory_space<hbm>> -> memref<3x1x128xi32, #tpu.memory_space<hbm>>
      %dma_start3A_377 = arith.constant 0 : i32
      %dma_start3A_378 = arith.constant 0 : i32
      %dma_start3A_379 = tpu.memref_slice %arg4[%min3A_367, %dma_start3A_377, %dma_start3A_378] : memref<2500x1x128xi32, #tpu.memory_space<hbm>> -> memref<3x1x128xi32, #tpu.memory_space<hbm>>
      tpu.enqueue_dma source(%dma_start3A_379 : memref<3x1x128xi32, #tpu.memory_space<hbm>>) target(%arg8 : memref<3x1x128xi32, #tpu.memory_space<vmem>>) target_semaphore(%arg20 : memref<!tpu.dma_semaphore, #tpu.memory_space<semaphore_mem>>)
      %dma_wait3A_380 = arith.constant 0 : i32
      %dma_wait3A_381 = arith.constant 0 : i32
      %dma_wait3A_382 = arith.constant 0 : i32
      %dma_wait3A_383 = arith.constant 0 : i32
      %dma_wait3A_384 = tpu.memref_slice %arg7[%dma_wait3A_380, %dma_wait3A_382, %dma_wait3A_383] : memref<3x1x128xi32, #tpu.memory_space<vmem>> -> memref<1x1x128xi32, #tpu.memory_space<vmem>>
      %dma_wait3A_385 = tpu.memref_squeeze %dma_wait3A_384 : memref<1x1x128xi32, #tpu.memory_space<vmem>> -> memref<1x128xi32, #tpu.memory_space<vmem>>
      %dma_wait3A_386 = arith.constant 0 : i32
      %dma_wait3A_387 = tpu.memref_slice %dma_wait3A_385[%dma_wait3A_381, %dma_wait3A_386] : memref<1x128xi32, #tpu.memory_space<vmem>> -> memref<1x128xi32, #tpu.memory_space<vmem>>
      %dma_wait3A_388 = tpu.memref_squeeze %dma_wait3A_387 : memref<1x128xi32, #tpu.memory_space<vmem>> -> memref<128xi32, #tpu.memory_space<vmem>>
      %dma_wait3A_389 = arith.constant 0 : i32
      %dma_wait3A_390 = arith.constant 0 : i32
      %dma_wait3A_391 = tpu.memref_slice %arg2[%dma_wait3A_389, %dma_wait3A_390] : memref<10000x128xf32, #tpu.memory_space<hbm>> -> memref<10000x128xf32, #tpu.memory_space<hbm>>
      tpu.wait_indirect_dma semaphore(%arg14 : memref<!tpu.dma_semaphore, #tpu.memory_space<semaphore_mem>>) src(%dma_wait3A_391 : memref<10000x128xf32, #tpu.memory_space<hbm>>) dst(%arg10 : memref<128x128xf32, #tpu.memory_space<vmem>>)
      %dma_start3A_392 = arith.constant 0 : i32
      %dma_start3A_393 = arith.constant 0 : i32
      %dma_start3A_394 = arith.constant 0 : i32
      %dma_start3A_395 = arith.constant 0 : i32
      %dma_start3A_396 = tpu.memref_slice %arg9[%dma_start3A_392, %dma_start3A_394, %dma_start3A_395] : memref<3x1x128xi32, #tpu.memory_space<vmem>> -> memref<1x1x128xi32, #tpu.memory_space<vmem>>
      %dma_start3A_397 = tpu.memref_squeeze %dma_start3A_396 : memref<1x1x128xi32, #tpu.memory_space<vmem>> -> memref<1x128xi32, #tpu.memory_space<vmem>>
      %dma_start3A_398 = arith.constant 0 : i32
      %dma_start3A_399 = tpu.memref_slice %dma_start3A_397[%dma_start3A_393, %dma_start3A_398] : memref<1x128xi32, #tpu.memory_space<vmem>> -> memref<1x128xi32, #tpu.memory_space<vmem>>
      %dma_start3A_400 = tpu.memref_squeeze %dma_start3A_399 : memref<1x128xi32, #tpu.memory_space<vmem>> -> memref<128xi32, #tpu.memory_space<vmem>>
      %dma_start3A_401 = arith.constant 0 : i32
      %dma_start3A_402 = arith.constant 0 : i32
      %dma_start3A_403 = tpu.memref_slice %arg13[%dma_start3A_401, %dma_start3A_402] : memref<10000x128xf32, #tpu.memory_space<vmem_shared>> -> memref<10000x128xf32, #tpu.memory_space<vmem_shared>>
      tpu.enqueue_indirect_dma source(%arg10 : memref<128x128xf32, #tpu.memory_space<vmem>>) target(%dma_start3A_403 : memref<10000x128xf32, #tpu.memory_space<vmem_shared>>) offsets(%dma_start3A_400 : memref<128xi32, #tpu.memory_space<vmem>>) semaphore(%arg17 : memref<!tpu.dma_semaphore, #tpu.memory_space<semaphore_mem>>) {add = true}
      %dma_wait3A_404 = arith.constant 1 : i32
      %dma_wait3A_405 = arith.constant 0 : i32
      %dma_wait3A_406 = arith.constant 0 : i32
      %dma_wait3A_407 = arith.constant 0 : i32
      %dma_wait3A_408 = tpu.memref_slice %arg7[%dma_wait3A_404, %dma_wait3A_406, %dma_wait3A_407] : memref<3x1x128xi32, #tpu.memory_space<vmem>> -> memref<1x1x128xi32, #tpu.memory_space<vmem>>
      %dma_wait3A_409 = tpu.memref_squeeze %dma_wait3A_408 : memref<1x1x128xi32, #tpu.memory_space<vmem>> -> memref<1x128xi32, #tpu.memory_space<vmem>>
      %dma_wait3A_410 = arith.constant 0 : i32
      %dma_wait3A_411 = tpu.memref_slice %dma_wait3A_409[%dma_wait3A_405, %dma_wait3A_410] : memref<1x128xi32, #tpu.memory_space<vmem>> -> memref<1x128xi32, #tpu.memory_space<vmem>>
      %dma_wait3A_412 = tpu.memref_squeeze %dma_wait3A_411 : memref<1x128xi32, #tpu.memory_space<vmem>> -> memref<128xi32, #tpu.memory_space<vmem>>
      %dma_wait3A_413 = arith.constant 0 : i32
      %dma_wait3A_414 = arith.constant 0 : i32
      %dma_wait3A_415 = tpu.memref_slice %arg2[%dma_wait3A_413, %dma_wait3A_414] : memref<10000x128xf32, #tpu.memory_space<hbm>> -> memref<10000x128xf32, #tpu.memory_space<hbm>>
      tpu.wait_indirect_dma semaphore(%arg15 : memref<!tpu.dma_semaphore, #tpu.memory_space<semaphore_mem>>) src(%dma_wait3A_415 : memref<10000x128xf32, #tpu.memory_space<hbm>>) dst(%arg11 : memref<128x128xf32, #tpu.memory_space<vmem>>)
      %dma_start3A_416 = arith.constant 1 : i32
      %dma_start3A_417 = arith.constant 0 : i32
      %dma_start3A_418 = arith.constant 0 : i32
      %dma_start3A_419 = arith.constant 0 : i32
      %dma_start3A_420 = tpu.memref_slice %arg9[%dma_start3A_416, %dma_start3A_418, %dma_start3A_419] : memref<3x1x128xi32, #tpu.memory_space<vmem>> -> memref<1x1x128xi32, #tpu.memory_space<vmem>>
      %dma_start3A_421 = tpu.memref_squeeze %dma_start3A_420 : memref<1x1x128xi32, #tpu.memory_space<vmem>> -> memref<1x128xi32, #tpu.memory_space<vmem>>
      %dma_start3A_422 = arith.constant 0 : i32
      %dma_start3A_423 = tpu.memref_slice %dma_start3A_421[%dma_start3A_417, %dma_start3A_422] : memref<1x128xi32, #tpu.memory_space<vmem>> -> memref<1x128xi32, #tpu.memory_space<vmem>>
      %dma_start3A_424 = tpu.memref_squeeze %dma_start3A_423 : memref<1x128xi32, #tpu.memory_space<vmem>> -> memref<128xi32, #tpu.memory_space<vmem>>
      %dma_start3A_425 = arith.constant 0 : i32
      %dma_start3A_426 = arith.constant 0 : i32
      %dma_start3A_427 = tpu.memref_slice %arg13[%dma_start3A_425, %dma_start3A_426] : memref<10000x128xf32, #tpu.memory_space<vmem_shared>> -> memref<10000x128xf32, #tpu.memory_space<vmem_shared>>
      tpu.enqueue_indirect_dma source(%arg11 : memref<128x128xf32, #tpu.memory_space<vmem>>) target(%dma_start3A_427 : memref<10000x128xf32, #tpu.memory_space<vmem_shared>>) offsets(%dma_start3A_424 : memref<128xi32, #tpu.memory_space<vmem>>) semaphore(%arg18 : memref<!tpu.dma_semaphore, #tpu.memory_space<semaphore_mem>>) {add = true}
      %dma_wait3A_428 = arith.constant 2 : i32
      %dma_wait3A_429 = arith.constant 0 : i32
      %dma_wait3A_430 = arith.constant 0 : i32
      %dma_wait3A_431 = arith.constant 0 : i32
      %dma_wait3A_432 = tpu.memref_slice %arg7[%dma_wait3A_428, %dma_wait3A_430, %dma_wait3A_431] : memref<3x1x128xi32, #tpu.memory_space<vmem>> -> memref<1x1x128xi32, #tpu.memory_space<vmem>>
      %dma_wait3A_433 = tpu.memref_squeeze %dma_wait3A_432 : memref<1x1x128xi32, #tpu.memory_space<vmem>> -> memref<1x128xi32, #tpu.memory_space<vmem>>
      %dma_wait3A_434 = arith.constant 0 : i32
      %dma_wait3A_435 = tpu.memref_slice %dma_wait3A_433[%dma_wait3A_429, %dma_wait3A_434] : memref<1x128xi32, #tpu.memory_space<vmem>> -> memref<1x128xi32, #tpu.memory_space<vmem>>
      %dma_wait3A_436 = tpu.memref_squeeze %dma_wait3A_435 : memref<1x128xi32, #tpu.memory_space<vmem>> -> memref<128xi32, #tpu.memory_space<vmem>>
      %dma_wait3A_437 = arith.constant 0 : i32
      %dma_wait3A_438 = arith.constant 0 : i32
      %dma_wait3A_439 = tpu.memref_slice %arg2[%dma_wait3A_437, %dma_wait3A_438] : memref<10000x128xf32, #tpu.memory_space<hbm>> -> memref<10000x128xf32, #tpu.memory_space<hbm>>
      tpu.wait_indirect_dma semaphore(%arg16 : memref<!tpu.dma_semaphore, #tpu.memory_space<semaphore_mem>>) src(%dma_wait3A_439 : memref<10000x128xf32, #tpu.memory_space<hbm>>) dst(%arg12 : memref<128x128xf32, #tpu.memory_space<vmem>>)
      %dma_start3A_440 = arith.constant 2 : i32
      %dma_start3A_441 = arith.constant 0 : i32
      %dma_start3A_442 = arith.constant 0 : i32
      %dma_start3A_443 = arith.constant 0 : i32
      %dma_start3A_444 = tpu.memref_slice %arg9[%dma_start3A_440, %dma_start3A_442, %dma_start3A_443] : memref<3x1x128xi32, #tpu.memory_space<vmem>> -> memref<1x1x128xi32, #tpu.memory_space<vmem>>
      %dma_start3A_445 = tpu.memref_squeeze %dma_start3A_444 : memref<1x1x128xi32, #tpu.memory_space<vmem>> -> memref<1x128xi32, #tpu.memory_space<vmem>>
      %dma_start3A_446 = arith.constant 0 : i32
      %dma_start3A_447 = tpu.memref_slice %dma_start3A_445[%dma_start3A_441, %dma_start3A_446] : memref<1x128xi32, #tpu.memory_space<vmem>> -> memref<1x128xi32, #tpu.memory_space<vmem>>
      %dma_start3A_448 = tpu.memref_squeeze %dma_start3A_447 : memref<1x128xi32, #tpu.memory_space<vmem>> -> memref<128xi32, #tpu.memory_space<vmem>>
      %dma_start3A_449 = arith.constant 0 : i32
      %dma_start3A_450 = arith.constant 0 : i32
      %dma_start3A_451 = tpu.memref_slice %arg13[%dma_start3A_449, %dma_start3A_450] : memref<10000x128xf32, #tpu.memory_space<vmem_shared>> -> memref<10000x128xf32, #tpu.memory_space<vmem_shared>>
      tpu.enqueue_indirect_dma source(%arg12 : memref<128x128xf32, #tpu.memory_space<vmem>>) target(%dma_start3A_451 : memref<10000x128xf32, #tpu.memory_space<vmem_shared>>) offsets(%dma_start3A_448 : memref<128xi32, #tpu.memory_space<vmem>>) semaphore(%arg19 : memref<!tpu.dma_semaphore, #tpu.memory_space<semaphore_mem>>) {add = true}
      %dma_wait3A_452 = arith.constant 0 : i32
      %dma_wait3A_453 = arith.constant 0 : i32
      %dma_wait3A_454 = arith.constant 0 : i32
      %dma_wait3A_455 = tpu.memref_slice %arg3[%dma_wait3A_452, %dma_wait3A_453, %dma_wait3A_454] : memref<2500x1x128xi32, #tpu.memory_space<hbm>> -> memref<3x1x128xi32, #tpu.memory_space<hbm>>
      %dma_wait3A_456 = arith.constant 0 : i32
      %dma_wait3A_457 = arith.constant 0 : i32
      %dma_wait3A_458 = arith.constant 0 : i32
      %dma_wait3A_459 = tpu.memref_slice %arg3[%dma_wait3A_456, %dma_wait3A_457, %dma_wait3A_458] : memref<2500x1x128xi32, #tpu.memory_space<hbm>> -> memref<3x1x128xi32, #tpu.memory_space<hbm>>
      tpu.wait_dma2 semaphore(%arg20 : memref<!tpu.dma_semaphore, #tpu.memory_space<semaphore_mem>>) src(%dma_wait3A_459 : memref<3x1x128xi32, #tpu.memory_space<hbm>>) dst(%arg6 : memref<3x1x128xi32, #tpu.memory_space<vmem>>)
      %dma_wait3A_460 = arith.constant 0 : i32
      %dma_wait3A_461 = arith.constant 0 : i32
      %dma_wait3A_462 = arith.constant 0 : i32
      %dma_wait3A_463 = tpu.memref_slice %arg4[%dma_wait3A_460, %dma_wait3A_461, %dma_wait3A_462] : memref<2500x1x128xi32, #tpu.memory_space<hbm>> -> memref<3x1x128xi32, #tpu.memory_space<hbm>>
      %dma_wait3A_464 = arith.constant 0 : i32
      %dma_wait3A_465 = arith.constant 0 : i32
      %dma_wait3A_466 = arith.constant 0 : i32
      %dma_wait3A_467 = tpu.memref_slice %arg4[%dma_wait3A_464, %dma_wait3A_465, %dma_wait3A_466] : memref<2500x1x128xi32, #tpu.memory_space<hbm>> -> memref<3x1x128xi32, #tpu.memory_space<hbm>>
      tpu.wait_dma2 semaphore(%arg20 : memref<!tpu.dma_semaphore, #tpu.memory_space<semaphore_mem>>) src(%dma_wait3A_467 : memref<3x1x128xi32, #tpu.memory_space<hbm>>) dst(%arg8 : memref<3x1x128xi32, #tpu.memory_space<vmem>>)
      %dma_wait3A_468 = arith.constant 0 : i32
      %dma_wait3A_469 = arith.constant 0 : i32
      %dma_wait3A_470 = arith.constant 0 : i32
      %dma_wait3A_471 = arith.constant 0 : i32
      %dma_wait3A_472 = tpu.memref_slice %arg9[%dma_wait3A_468, %dma_wait3A_470, %dma_wait3A_471] : memref<3x1x128xi32, #tpu.memory_space<vmem>> -> memref<1x1x128xi32, #tpu.memory_space<vmem>>
      %dma_wait3A_473 = tpu.memref_squeeze %dma_wait3A_472 : memref<1x1x128xi32, #tpu.memory_space<vmem>> -> memref<1x128xi32, #tpu.memory_space<vmem>>
      %dma_wait3A_474 = arith.constant 0 : i32
      %dma_wait3A_475 = tpu.memref_slice %dma_wait3A_473[%dma_wait3A_469, %dma_wait3A_474] : memref<1x128xi32, #tpu.memory_space<vmem>> -> memref<1x128xi32, #tpu.memory_space<vmem>>
      %dma_wait3A_476 = tpu.memref_squeeze %dma_wait3A_475 : memref<1x128xi32, #tpu.memory_space<vmem>> -> memref<128xi32, #tpu.memory_space<vmem>>
      %dma_wait3A_477 = arith.constant 0 : i32
      %dma_wait3A_478 = arith.constant 0 : i32
      %dma_wait3A_479 = tpu.memref_slice %arg13[%dma_wait3A_477, %dma_wait3A_478] : memref<10000x128xf32, #tpu.memory_space<vmem_shared>> -> memref<10000x128xf32, #tpu.memory_space<vmem_shared>>
      tpu.wait_indirect_dma semaphore(%arg17 : memref<!tpu.dma_semaphore, #tpu.memory_space<semaphore_mem>>) src(%arg10 : memref<128x128xf32, #tpu.memory_space<vmem>>) dst(%dma_wait3A_479 : memref<10000x128xf32, #tpu.memory_space<vmem_shared>>)
      %dma_start3A_480 = arith.constant 0 : i32
      %dma_start3A_481 = arith.constant 0 : i32
      %dma_start3A_482 = arith.constant 0 : i32
      %dma_start3A_483 = arith.constant 0 : i32
      %dma_start3A_484 = tpu.memref_slice %arg6[%dma_start3A_480, %dma_start3A_482, %dma_start3A_483] : memref<3x1x128xi32, #tpu.memory_space<vmem>> -> memref<1x1x128xi32, #tpu.memory_space<vmem>>
      %dma_start3A_485 = tpu.memref_squeeze %dma_start3A_484 : memref<1x1x128xi32, #tpu.memory_space<vmem>> -> memref<1x128xi32, #tpu.memory_space<vmem>>
      %dma_start3A_486 = arith.constant 0 : i32
      %dma_start3A_487 = tpu.memref_slice %dma_start3A_485[%dma_start3A_481, %dma_start3A_486] : memref<1x128xi32, #tpu.memory_space<vmem>> -> memref<1x128xi32, #tpu.memory_space<vmem>>
      %dma_start3A_488 = tpu.memref_squeeze %dma_start3A_487 : memref<1x128xi32, #tpu.memory_space<vmem>> -> memref<128xi32, #tpu.memory_space<vmem>>
      %dma_start3A_489 = arith.constant 0 : i32
      %dma_start3A_490 = arith.constant 0 : i32
      %dma_start3A_491 = tpu.memref_slice %arg2[%dma_start3A_489, %dma_start3A_490] : memref<10000x128xf32, #tpu.memory_space<hbm>> -> memref<10000x128xf32, #tpu.memory_space<hbm>>
      tpu.enqueue_indirect_dma source(%dma_start3A_491 : memref<10000x128xf32, #tpu.memory_space<hbm>>) target(%arg10 : memref<128x128xf32, #tpu.memory_space<vmem>>) offsets(%dma_start3A_488 : memref<128xi32, #tpu.memory_space<vmem>>) semaphore(%arg14 : memref<!tpu.dma_semaphore, #tpu.memory_space<semaphore_mem>>)
      %dma_wait3A_492 = arith.constant 1 : i32
      %dma_wait3A_493 = arith.constant 0 : i32
      %dma_wait3A_494 = arith.constant 0 : i32
      %dma_wait3A_495 = arith.constant 0 : i32
      %dma_wait3A_496 = tpu.memref_slice %arg9[%dma_wait3A_492, %dma_wait3A_494, %dma_wait3A_495] : memref<3x1x128xi32, #tpu.memory_space<vmem>> -> memref<1x1x128xi32, #tpu.memory_space<vmem>>
      %dma_wait3A_497 = tpu.memref_squeeze %dma_wait3A_496 : memref<1x1x128xi32, #tpu.memory_space<vmem>> -> memref<1x128xi32, #tpu.memory_space<vmem>>
      %dma_wait3A_498 = arith.constant 0 : i32
      %dma_wait3A_499 = tpu.memref_slice %dma_wait3A_497[%dma_wait3A_493, %dma_wait3A_498] : memref<1x128xi32, #tpu.memory_space<vmem>> -> memref<1x128xi32, #tpu.memory_space<vmem>>
      %dma_wait3A_500 = tpu.memref_squeeze %dma_wait3A_499 : memref<1x128xi32, #tpu.memory_space<vmem>> -> memref<128xi32, #tpu.memory_space<vmem>>
      %dma_wait3A_501 = arith.constant 0 : i32
      %dma_wait3A_502 = arith.constant 0 : i32
      %dma_wait3A_503 = tpu.memref_slice %arg13[%dma_wait3A_501, %dma_wait3A_502] : memref<10000x128xf32, #tpu.memory_space<vmem_shared>> -> memref<10000x128xf32, #tpu.memory_space<vmem_shared>>
      tpu.wait_indirect_dma semaphore(%arg18 : memref<!tpu.dma_semaphore, #tpu.memory_space<semaphore_mem>>) src(%arg11 : memref<128x128xf32, #tpu.memory_space<vmem>>) dst(%dma_wait3A_503 : memref<10000x128xf32, #tpu.memory_space<vmem_shared>>)
      %dma_start3A_504 = arith.constant 1 : i32
      %dma_start3A_505 = arith.constant 0 : i32
      %dma_start3A_506 = arith.constant 0 : i32
      %dma_start3A_507 = arith.constant 0 : i32
      %dma_start3A_508 = tpu.memref_slice %arg6[%dma_start3A_504, %dma_start3A_506, %dma_start3A_507] : memref<3x1x128xi32, #tpu.memory_space<vmem>> -> memref<1x1x128xi32, #tpu.memory_space<vmem>>
      %dma_start3A_509 = tpu.memref_squeeze %dma_start3A_508 : memref<1x1x128xi32, #tpu.memory_space<vmem>> -> memref<1x128xi32, #tpu.memory_space<vmem>>
      %dma_start3A_510 = arith.constant 0 : i32
      %dma_start3A_511 = tpu.memref_slice %dma_start3A_509[%dma_start3A_505, %dma_start3A_510] : memref<1x128xi32, #tpu.memory_space<vmem>> -> memref<1x128xi32, #tpu.memory_space<vmem>>
      %dma_start3A_512 = tpu.memref_squeeze %dma_start3A_511 : memref<1x128xi32, #tpu.memory_space<vmem>> -> memref<128xi32, #tpu.memory_space<vmem>>
      %dma_start3A_513 = arith.constant 0 : i32
      %dma_start3A_514 = arith.constant 0 : i32
      %dma_start3A_515 = tpu.memref_slice %arg2[%dma_start3A_513, %dma_start3A_514] : memref<10000x128xf32, #tpu.memory_space<hbm>> -> memref<10000x128xf32, #tpu.memory_space<hbm>>
      tpu.enqueue_indirect_dma source(%dma_start3A_515 : memref<10000x128xf32, #tpu.memory_space<hbm>>) target(%arg11 : memref<128x128xf32, #tpu.memory_space<vmem>>) offsets(%dma_start3A_512 : memref<128xi32, #tpu.memory_space<vmem>>) semaphore(%arg15 : memref<!tpu.dma_semaphore, #tpu.memory_space<semaphore_mem>>)
      %dma_wait3A_516 = arith.constant 2 : i32
      %dma_wait3A_517 = arith.constant 0 : i32
      %dma_wait3A_518 = arith.constant 0 : i32
      %dma_wait3A_519 = arith.constant 0 : i32
      %dma_wait3A_520 = tpu.memref_slice %arg9[%dma_wait3A_516, %dma_wait3A_518, %dma_wait3A_519] : memref<3x1x128xi32, #tpu.memory_space<vmem>> -> memref<1x1x128xi32, #tpu.memory_space<vmem>>
      %dma_wait3A_521 = tpu.memref_squeeze %dma_wait3A_520 : memref<1x1x128xi32, #tpu.memory_space<vmem>> -> memref<1x128xi32, #tpu.memory_space<vmem>>
      %dma_wait3A_522 = arith.constant 0 : i32
      %dma_wait3A_523 = tpu.memref_slice %dma_wait3A_521[%dma_wait3A_517, %dma_wait3A_522] : memref<1x128xi32, #tpu.memory_space<vmem>> -> memref<1x128xi32, #tpu.memory_space<vmem>>
      %dma_wait3A_524 = tpu.memref_squeeze %dma_wait3A_523 : memref<1x128xi32, #tpu.memory_space<vmem>> -> memref<128xi32, #tpu.memory_space<vmem>>
      %dma_wait3A_525 = arith.constant 0 : i32
      %dma_wait3A_526 = arith.constant 0 : i32
      %dma_wait3A_527 = tpu.memref_slice %arg13[%dma_wait3A_525, %dma_wait3A_526] : memref<10000x128xf32, #tpu.memory_space<vmem_shared>> -> memref<10000x128xf32, #tpu.memory_space<vmem_shared>>
      tpu.wait_indirect_dma semaphore(%arg19 : memref<!tpu.dma_semaphore, #tpu.memory_space<semaphore_mem>>) src(%arg12 : memref<128x128xf32, #tpu.memory_space<vmem>>) dst(%dma_wait3A_527 : memref<10000x128xf32, #tpu.memory_space<vmem_shared>>)
      %dma_start3A_528 = arith.constant 2 : i32
      %dma_start3A_529 = arith.constant 0 : i32
      %dma_start3A_530 = arith.constant 0 : i32
      %dma_start3A_531 = arith.constant 0 : i32
      %dma_start3A_532 = tpu.memref_slice %arg6[%dma_start3A_528, %dma_start3A_530, %dma_start3A_531] : memref<3x1x128xi32, #tpu.memory_space<vmem>> -> memref<1x1x128xi32, #tpu.memory_space<vmem>>
      %dma_start3A_533 = tpu.memref_squeeze %dma_start3A_532 : memref<1x1x128xi32, #tpu.memory_space<vmem>> -> memref<1x128xi32, #tpu.memory_space<vmem>>
      %dma_start3A_534 = arith.constant 0 : i32
      %dma_start3A_535 = tpu.memref_slice %dma_start3A_533[%dma_start3A_529, %dma_start3A_534] : memref<1x128xi32, #tpu.memory_space<vmem>> -> memref<1x128xi32, #tpu.memory_space<vmem>>
      %dma_start3A_536 = tpu.memref_squeeze %dma_start3A_535 : memref<1x128xi32, #tpu.memory_space<vmem>> -> memref<128xi32, #tpu.memory_space<vmem>>
      %dma_start3A_537 = arith.constant 0 : i32
      %dma_start3A_538 = arith.constant 0 : i32
      %dma_start3A_539 = tpu.memref_slice %arg2[%dma_start3A_537, %dma_start3A_538] : memref<10000x128xf32, #tpu.memory_space<hbm>> -> memref<10000x128xf32, #tpu.memory_space<hbm>>
      tpu.enqueue_indirect_dma source(%dma_start3A_539 : memref<10000x128xf32, #tpu.memory_space<hbm>>) target(%arg12 : memref<128x128xf32, #tpu.memory_space<vmem>>) offsets(%dma_start3A_536 : memref<128xi32, #tpu.memory_space<vmem>>) semaphore(%arg16 : memref<!tpu.dma_semaphore, #tpu.memory_space<semaphore_mem>>)
      %mul3A_540 = arith.constant 2 : i32
      %mul3A_541 = arith.muli %mul3A_540, %scan3A_198 : i32
      %add3A_542 = arith.constant 3 : i32
      %add3A_543 = arith.addi %mul3A_541, %add3A_542 : i32
      %mul3A_544 = arith.constant 3 : i32
      %mul3A_545 = arith.muli %mul3A_544, %add3A_543 : i32
      %add3A_546 = arith.addi %add3A_23, %mul3A_545 : i32
      %min3A_547 = arith.constant 2497 : i32
      %min3A_548 = arith.minsi %add3A_546, %min3A_547 : i32
      %dma_start3A_549 = arith.constant 0 : i32
      %dma_start3A_550 = arith.constant 0 : i32
      %dma_start3A_551 = tpu.memref_slice %arg3[%min3A_548, %dma_start3A_549, %dma_start3A_550] : memref<2500x1x128xi32, #tpu.memory_space<hbm>> -> memref<3x1x128xi32, #tpu.memory_space<hbm>>
      %dma_start3A_552 = arith.constant 0 : i32
      %dma_start3A_553 = arith.constant 0 : i32
      %dma_start3A_554 = tpu.memref_slice %arg3[%min3A_548, %dma_start3A_552, %dma_start3A_553] : memref<2500x1x128xi32, #tpu.memory_space<hbm>> -> memref<3x1x128xi32, #tpu.memory_space<hbm>>
      tpu.enqueue_dma source(%dma_start3A_554 : memref<3x1x128xi32, #tpu.memory_space<hbm>>) target(%arg7 : memref<3x1x128xi32, #tpu.memory_space<vmem>>) target_semaphore(%arg21 : memref<!tpu.dma_semaphore, #tpu.memory_space<semaphore_mem>>)
      %dma_start3A_555 = arith.constant 0 : i32
      %dma_start3A_556 = arith.constant 0 : i32
      %dma_start3A_557 = tpu.memref_slice %arg4[%min3A_548, %dma_start3A_555, %dma_start3A_556] : memref<2500x1x128xi32, #tpu.memory_space<hbm>> -> memref<3x1x128xi32, #tpu.memory_space<hbm>>
      %dma_start3A_558 = arith.constant 0 : i32
      %dma_start3A_559 = arith.constant 0 : i32
      %dma_start3A_560 = tpu.memref_slice %arg4[%min3A_548, %dma_start3A_558, %dma_start3A_559] : memref<2500x1x128xi32, #tpu.memory_space<hbm>> -> memref<3x1x128xi32, #tpu.memory_space<hbm>>
      tpu.enqueue_dma source(%dma_start3A_560 : memref<3x1x128xi32, #tpu.memory_space<hbm>>) target(%arg9 : memref<3x1x128xi32, #tpu.memory_space<vmem>>) target_semaphore(%arg21 : memref<!tpu.dma_semaphore, #tpu.memory_space<semaphore_mem>>)
    }
    %scan3A_121 = arith.constant 13 : i32
    %dma_wait3A_122 = arith.constant 0 : i32
    %dma_wait3A_123 = arith.constant 0 : i32
    %dma_wait3A_124 = arith.constant 0 : i32
    %dma_wait3A_125 = arith.constant 0 : i32
    %dma_wait3A_126 = tpu.memref_slice %arg6[%dma_wait3A_122, %dma_wait3A_124, %dma_wait3A_125] : memref<3x1x128xi32, #tpu.memory_space<vmem>> -> memref<1x1x128xi32, #tpu.memory_space<vmem>>
    %dma_wait3A_127 = tpu.memref_squeeze %dma_wait3A_126 : memref<1x1x128xi32, #tpu.memory_space<vmem>> -> memref<1x128xi32, #tpu.memory_space<vmem>>
    %dma_wait3A_128 = arith.constant 0 : i32
    %dma_wait3A_129 = tpu.memref_slice %dma_wait3A_127[%dma_wait3A_123, %dma_wait3A_128] : memref<1x128xi32, #tpu.memory_space<vmem>> -> memref<1x128xi32, #tpu.memory_space<vmem>>
    %dma_wait3A_130 = tpu.memref_squeeze %dma_wait3A_129 : memref<1x128xi32, #tpu.memory_space<vmem>> -> memref<128xi32, #tpu.memory_space<vmem>>
    %dma_wait3A_131 = arith.constant 0 : i32
    %dma_wait3A_132 = arith.constant 0 : i32
    %dma_wait3A_133 = tpu.memref_slice %arg2[%dma_wait3A_131, %dma_wait3A_132] : memref<10000x128xf32, #tpu.memory_space<hbm>> -> memref<10000x128xf32, #tpu.memory_space<hbm>>
    tpu.wait_indirect_dma semaphore(%arg14 : memref<!tpu.dma_semaphore, #tpu.memory_space<semaphore_mem>>) src(%dma_wait3A_133 : memref<10000x128xf32, #tpu.memory_space<hbm>>) dst(%arg10 : memref<128x128xf32, #tpu.memory_space<vmem>>)
    %dma_wait3A_134 = arith.constant 1 : i32
    %dma_wait3A_135 = arith.constant 0 : i32
    %dma_wait3A_136 = arith.constant 0 : i32
    %dma_wait3A_137 = arith.constant 0 : i32
    %dma_wait3A_138 = tpu.memref_slice %arg6[%dma_wait3A_134, %dma_wait3A_136, %dma_wait3A_137] : memref<3x1x128xi32, #tpu.memory_space<vmem>> -> memref<1x1x128xi32, #tpu.memory_space<vmem>>
    %dma_wait3A_139 = tpu.memref_squeeze %dma_wait3A_138 : memref<1x1x128xi32, #tpu.memory_space<vmem>> -> memref<1x128xi32, #tpu.memory_space<vmem>>
    %dma_wait3A_140 = arith.constant 0 : i32
    %dma_wait3A_141 = tpu.memref_slice %dma_wait3A_139[%dma_wait3A_135, %dma_wait3A_140] : memref<1x128xi32, #tpu.memory_space<vmem>> -> memref<1x128xi32, #tpu.memory_space<vmem>>
    %dma_wait3A_142 = tpu.memref_squeeze %dma_wait3A_141 : memref<1x128xi32, #tpu.memory_space<vmem>> -> memref<128xi32, #tpu.memory_space<vmem>>
    %dma_wait3A_143 = arith.constant 0 : i32
    %dma_wait3A_144 = arith.constant 0 : i32
    %dma_wait3A_145 = tpu.memref_slice %arg2[%dma_wait3A_143, %dma_wait3A_144] : memref<10000x128xf32, #tpu.memory_space<hbm>> -> memref<10000x128xf32, #tpu.memory_space<hbm>>
    tpu.wait_indirect_dma semaphore(%arg15 : memref<!tpu.dma_semaphore, #tpu.memory_space<semaphore_mem>>) src(%dma_wait3A_145 : memref<10000x128xf32, #tpu.memory_space<hbm>>) dst(%arg11 : memref<128x128xf32, #tpu.memory_space<vmem>>)
    %dma_wait3A_146 = arith.constant 2 : i32
    %dma_wait3A_147 = arith.constant 0 : i32
    %dma_wait3A_148 = arith.constant 0 : i32
    %dma_wait3A_149 = arith.constant 0 : i32
    %dma_wait3A_150 = tpu.memref_slice %arg6[%dma_wait3A_146, %dma_wait3A_148, %dma_wait3A_149] : memref<3x1x128xi32, #tpu.memory_space<vmem>> -> memref<1x1x128xi32, #tpu.memory_space<vmem>>
    %dma_wait3A_151 = tpu.memref_squeeze %dma_wait3A_150 : memref<1x1x128xi32, #tpu.memory_space<vmem>> -> memref<1x128xi32, #tpu.memory_space<vmem>>
    %dma_wait3A_152 = arith.constant 0 : i32
    %dma_wait3A_153 = tpu.memref_slice %dma_wait3A_151[%dma_wait3A_147, %dma_wait3A_152] : memref<1x128xi32, #tpu.memory_space<vmem>> -> memref<1x128xi32, #tpu.memory_space<vmem>>
    %dma_wait3A_154 = tpu.memref_squeeze %dma_wait3A_153 : memref<1x128xi32, #tpu.memory_space<vmem>> -> memref<128xi32, #tpu.memory_space<vmem>>
    %dma_wait3A_155 = arith.constant 0 : i32
    %dma_wait3A_156 = arith.constant 0 : i32
    %dma_wait3A_157 = tpu.memref_slice %arg2[%dma_wait3A_155, %dma_wait3A_156] : memref<10000x128xf32, #tpu.memory_space<hbm>> -> memref<10000x128xf32, #tpu.memory_space<hbm>>
    tpu.wait_indirect_dma semaphore(%arg16 : memref<!tpu.dma_semaphore, #tpu.memory_space<semaphore_mem>>) src(%dma_wait3A_157 : memref<10000x128xf32, #tpu.memory_space<hbm>>) dst(%arg12 : memref<128x128xf32, #tpu.memory_space<vmem>>)
    %dma_wait3A_158 = arith.constant 0 : i32
    %dma_wait3A_159 = arith.constant 0 : i32
    %dma_wait3A_160 = arith.constant 0 : i32
    %dma_wait3A_161 = tpu.memref_slice %arg3[%dma_wait3A_158, %dma_wait3A_159, %dma_wait3A_160] : memref<2500x1x128xi32, #tpu.memory_space<hbm>> -> memref<3x1x128xi32, #tpu.memory_space<hbm>>
    %dma_wait3A_162 = arith.constant 0 : i32
    %dma_wait3A_163 = arith.constant 0 : i32
    %dma_wait3A_164 = arith.constant 0 : i32
    %dma_wait3A_165 = tpu.memref_slice %arg3[%dma_wait3A_162, %dma_wait3A_163, %dma_wait3A_164] : memref<2500x1x128xi32, #tpu.memory_space<hbm>> -> memref<3x1x128xi32, #tpu.memory_space<hbm>>
    tpu.wait_dma2 semaphore(%arg21 : memref<!tpu.dma_semaphore, #tpu.memory_space<semaphore_mem>>) src(%dma_wait3A_165 : memref<3x1x128xi32, #tpu.memory_space<hbm>>) dst(%arg7 : memref<3x1x128xi32, #tpu.memory_space<vmem>>)
    %dma_wait3A_166 = arith.constant 0 : i32
    %dma_wait3A_167 = arith.constant 0 : i32
    %dma_wait3A_168 = arith.constant 0 : i32
    %dma_wait3A_169 = tpu.memref_slice %arg4[%dma_wait3A_166, %dma_wait3A_167, %dma_wait3A_168] : memref<2500x1x128xi32, #tpu.memory_space<hbm>> -> memref<3x1x128xi32, #tpu.memory_space<hbm>>
    %dma_wait3A_170 = arith.constant 0 : i32
    %dma_wait3A_171 = arith.constant 0 : i32
    %dma_wait3A_172 = arith.constant 0 : i32
    %dma_wait3A_173 = tpu.memref_slice %arg4[%dma_wait3A_170, %dma_wait3A_171, %dma_wait3A_172] : memref<2500x1x128xi32, #tpu.memory_space<hbm>> -> memref<3x1x128xi32, #tpu.memory_space<hbm>>
    tpu.wait_dma2 semaphore(%arg21 : memref<!tpu.dma_semaphore, #tpu.memory_space<semaphore_mem>>) src(%dma_wait3A_173 : memref<3x1x128xi32, #tpu.memory_space<hbm>>) dst(%arg9 : memref<3x1x128xi32, #tpu.memory_space<vmem>>)
    %lt3A_174 = arith.constant 4 : i32
    %lt3A_175 = arith.cmpi slt, %add3A, %lt3A_174 : i32
    %convert_element_type3A = arith.extui %lt3A_175 : i1 to i32
    %cond3A = arith.constant 0 : i32
    %cond3A_176 = arith.cmpi ne, %convert_element_type3A, %cond3A : i32
    scf.if %cond3A_176 {
      %dma_start3A_198 = arith.constant 0 : i32
      %dma_start3A_199 = arith.constant 0 : i32
      %dma_start3A_200 = arith.constant 0 : i32
      %dma_start3A_201 = arith.constant 0 : i32
      %dma_start3A_202 = tpu.memref_slice %arg8[%dma_start3A_198, %dma_start3A_200, %dma_start3A_201] : memref<3x1x128xi32, #tpu.memory_space<vmem>> -> memref<1x1x128xi32, #tpu.memory_space<vmem>>
      %dma_start3A_203 = tpu.memref_squeeze %dma_start3A_202 : memref<1x1x128xi32, #tpu.memory_space<vmem>> -> memref<1x128xi32, #tpu.memory_space<vmem>>
      %dma_start3A_204 = arith.constant 0 : i32
      %dma_start3A_205 = tpu.memref_slice %dma_start3A_203[%dma_start3A_199, %dma_start3A_204] : memref<1x128xi32, #tpu.memory_space<vmem>> -> memref<1x128xi32, #tpu.memory_space<vmem>>
      %dma_start3A_206 = tpu.memref_squeeze %dma_start3A_205 : memref<1x128xi32, #tpu.memory_space<vmem>> -> memref<128xi32, #tpu.memory_space<vmem>>
      %dma_start3A_207 = arith.constant 0 : i32
      %dma_start3A_208 = arith.constant 0 : i32
      %dma_start3A_209 = tpu.memref_slice %arg13[%dma_start3A_207, %dma_start3A_208] : memref<10000x128xf32, #tpu.memory_space<vmem_shared>> -> memref<10000x128xf32, #tpu.memory_space<vmem_shared>>
      tpu.enqueue_indirect_dma source(%arg10 : memref<128x128xf32, #tpu.memory_space<vmem>>) target(%dma_start3A_209 : memref<10000x128xf32, #tpu.memory_space<vmem_shared>>) offsets(%dma_start3A_206 : memref<128xi32, #tpu.memory_space<vmem>>) semaphore(%arg17 : memref<!tpu.dma_semaphore, #tpu.memory_space<semaphore_mem>>) {add = true}
      %dma_wait3A_210 = arith.constant 0 : i32
      %dma_wait3A_211 = arith.constant 0 : i32
      %dma_wait3A_212 = arith.constant 0 : i32
      %dma_wait3A_213 = arith.constant 0 : i32
      %dma_wait3A_214 = tpu.memref_slice %arg8[%dma_wait3A_210, %dma_wait3A_212, %dma_wait3A_213] : memref<3x1x128xi32, #tpu.memory_space<vmem>> -> memref<1x1x128xi32, #tpu.memory_space<vmem>>
      %dma_wait3A_215 = tpu.memref_squeeze %dma_wait3A_214 : memref<1x1x128xi32, #tpu.memory_space<vmem>> -> memref<1x128xi32, #tpu.memory_space<vmem>>
      %dma_wait3A_216 = arith.constant 0 : i32
      %dma_wait3A_217 = tpu.memref_slice %dma_wait3A_215[%dma_wait3A_211, %dma_wait3A_216] : memref<1x128xi32, #tpu.memory_space<vmem>> -> memref<1x128xi32, #tpu.memory_space<vmem>>
      %dma_wait3A_218 = tpu.memref_squeeze %dma_wait3A_217 : memref<1x128xi32, #tpu.memory_space<vmem>> -> memref<128xi32, #tpu.memory_space<vmem>>
      %dma_wait3A_219 = arith.constant 0 : i32
      %dma_wait3A_220 = arith.constant 0 : i32
      %dma_wait3A_221 = tpu.memref_slice %arg13[%dma_wait3A_219, %dma_wait3A_220] : memref<10000x128xf32, #tpu.memory_space<vmem_shared>> -> memref<10000x128xf32, #tpu.memory_space<vmem_shared>>
      tpu.wait_indirect_dma semaphore(%arg17 : memref<!tpu.dma_semaphore, #tpu.memory_space<semaphore_mem>>) src(%arg10 : memref<128x128xf32, #tpu.memory_space<vmem>>) dst(%dma_wait3A_221 : memref<10000x128xf32, #tpu.memory_space<vmem_shared>>)
    } else {
    }
    %barrier3A_177 = arith.constant 0 : index
    tpu.barrier barrier_id(%barrier3A_177)
    %while3A_178 = arith.constant 0 : i32
    %while3A_179 = arith.constant 0 : i32
    %while3A_180 = arith.subi %add3A_10, %while3A_179 : i32
    %while3A_181 = arith.addi %while3A_179, %while3A_180 : i32
    %while3A_182 = arith.constant 1 : i32
    %while3A_183 = arith.divsi %while3A_180, %while3A_182 : i32
    %while3A_184 = arith.muli %while3A_183, %while3A_182 : i32
    %while3A_185 = arith.addi %while3A_179, %while3A_184 : i32
    %while3A_186 = arith.constant 1 : i32
    scf.for %while3A_198 = %while3A_179 to %while3A_185 step %while3A_186  : i32 {
      %mul3A_199 = arith.constant 16 : i32
      %mul3A_200 = arith.muli %while3A_198, %mul3A_199 : i32
      %add3A_201 = arith.addi %arg1, %mul3A_200 : i32
      %mul3A_202 = arith.constant 40 : i32
      %mul3A_203 = arith.muli %add3A_201, %mul3A_202 : i32
      %mul3A_204 = arith.constant 10000 : i32
      %mul3A_205 = arith.muli %arg0, %mul3A_204 : i32
      %add3A_206 = arith.addi %mul3A_205, %mul3A_203 : i32
      %dma_start3A_207 = arith.constant 0 : i32
      %dma_start3A_208 = tpu.memref_slice %arg5[%add3A_206, %dma_start3A_207] : memref<20000x128xf32, #tpu.memory_space<hbm>> -> memref<40x128xf32, #tpu.memory_space<hbm>>
      %dma_start3A_209 = arith.constant 0 : i32
      %dma_start3A_210 = tpu.memref_slice %arg13[%mul3A_203, %dma_start3A_209] : memref<10000x128xf32, #tpu.memory_space<vmem_shared>> -> memref<40x128xf32, #tpu.memory_space<vmem_shared>>
      tpu.enqueue_dma source(%dma_start3A_210 : memref<40x128xf32, #tpu.memory_space<vmem_shared>>) target(%dma_start3A_208 : memref<40x128xf32, #tpu.memory_space<hbm>>) target_semaphore(%arg22 : memref<!tpu.dma_semaphore, #tpu.memory_space<semaphore_mem>>)
    }
    %while3A_187 = arith.constant 1 : i32
    scf.for %while3A_198 = %while3A_185 to %while3A_181 step %while3A_187  : i32 {
      %mul3A_199 = arith.constant 16 : i32
      %mul3A_200 = arith.muli %while3A_198, %mul3A_199 : i32
      %add3A_201 = arith.addi %arg1, %mul3A_200 : i32
      %mul3A_202 = arith.constant 40 : i32
      %mul3A_203 = arith.muli %add3A_201, %mul3A_202 : i32
      %mul3A_204 = arith.constant 10000 : i32
      %mul3A_205 = arith.muli %arg0, %mul3A_204 : i32
      %add3A_206 = arith.addi %mul3A_205, %mul3A_203 : i32
      %dma_start3A_207 = arith.constant 0 : i32
      %dma_start3A_208 = tpu.memref_slice %arg5[%add3A_206, %dma_start3A_207] : memref<20000x128xf32, #tpu.memory_space<hbm>> -> memref<40x128xf32, #tpu.memory_space<hbm>>
      %dma_start3A_209 = arith.constant 0 : i32
      %dma_start3A_210 = tpu.memref_slice %arg13[%mul3A_203, %dma_start3A_209] : memref<10000x128xf32, #tpu.memory_space<vmem_shared>> -> memref<40x128xf32, #tpu.memory_space<vmem_shared>>
      tpu.enqueue_dma source(%dma_start3A_210 : memref<40x128xf32, #tpu.memory_space<vmem_shared>>) target(%dma_start3A_208 : memref<40x128xf32, #tpu.memory_space<hbm>>) target_semaphore(%arg22 : memref<!tpu.dma_semaphore, #tpu.memory_space<semaphore_mem>>)
    }
    %while3A_188 = arith.constant 0 : i32
    %while3A_189 = arith.constant 0 : i32
    %while3A_190 = arith.subi %add3A_10, %while3A_189 : i32
    %while3A_191 = arith.addi %while3A_189, %while3A_190 : i32
    %while3A_192 = arith.constant 1 : i32
    %while3A_193 = arith.divsi %while3A_190, %while3A_192 : i32
    %while3A_194 = arith.muli %while3A_193, %while3A_192 : i32
    %while3A_195 = arith.addi %while3A_189, %while3A_194 : i32
    %while3A_196 = arith.constant 1 : i32
    scf.for %while3A_198 = %while3A_189 to %while3A_195 step %while3A_196  : i32 {
      %dma_wait3A_199 = arith.constant 0 : i32
      %dma_wait3A_200 = arith.constant 0 : i32
      %dma_wait3A_201 = tpu.memref_slice %arg5[%dma_wait3A_199, %dma_wait3A_200] : memref<20000x128xf32, #tpu.memory_space<hbm>> -> memref<40x128xf32, #tpu.memory_space<hbm>>
      %dma_wait3A_202 = arith.constant 0 : i32
      %dma_wait3A_203 = arith.constant 0 : i32
      %dma_wait3A_204 = tpu.memref_slice %arg13[%dma_wait3A_202, %dma_wait3A_203] : memref<10000x128xf32, #tpu.memory_space<vmem_shared>> -> memref<40x128xf32, #tpu.memory_space<vmem_shared>>
      tpu.wait_dma2 semaphore(%arg22 : memref<!tpu.dma_semaphore, #tpu.memory_space<semaphore_mem>>) src(%dma_wait3A_204 : memref<40x128xf32, #tpu.memory_space<vmem_shared>>) dst(%dma_wait3A_201 : memref<40x128xf32, #tpu.memory_space<hbm>>)
    }
    %while3A_197 = arith.constant 1 : i32
    scf.for %while3A_198 = %while3A_195 to %while3A_191 step %while3A_197  : i32 {
      %dma_wait3A_199 = arith.constant 0 : i32
      %dma_wait3A_200 = arith.constant 0 : i32
      %dma_wait3A_201 = tpu.memref_slice %arg5[%dma_wait3A_199, %dma_wait3A_200] : memref<20000x128xf32, #tpu.memory_space<hbm>> -> memref<40x128xf32, #tpu.memory_space<hbm>>
      %dma_wait3A_202 = arith.constant 0 : i32
      %dma_wait3A_203 = arith.constant 0 : i32
      %dma_wait3A_204 = tpu.memref_slice %arg13[%dma_wait3A_202, %dma_wait3A_203] : memref<10000x128xf32, #tpu.memory_space<vmem_shared>> -> memref<40x128xf32, #tpu.memory_space<vmem_shared>>
      tpu.wait_dma2 semaphore(%arg22 : memref<!tpu.dma_semaphore, #tpu.memory_space<semaphore_mem>>) src(%dma_wait3A_204 : memref<40x128xf32, #tpu.memory_space<vmem_shared>>) dst(%dma_wait3A_201 : memref<40x128xf32, #tpu.memory_space<hbm>>)
    }
    return
  }
}

module attributes {stable_mosaic.version = 14 : i64} {
  func.func @_mm_body(%arg0: i32, %arg1: memref<2000x128xf32, #tpu.memory_space<vmem>>, %arg2: memref<2000x128xf32, #tpu.memory_space<vmem>>, %arg3: memref<128x128xf32, #tpu.memory_space<vmem>>, %arg4: memref<2000x128xf32, #tpu.memory_space<vmem>>) attributes {dimension_semantics = [#tpu.dimension_semantics<arbitrary>], iteration_bounds = array<i64: 5>, scalar_prefetch = 0 : i64, scratch_operands = 0 : i64, tpu.core_type = #tpu.core_type<tc>, window_params = [{transform_indices = @transform_0, window_bounds = array<i64: 2000, 128>}, {transform_indices = @transform_1, window_bounds = array<i64: 2000, 128>}, {pipeline_mode = #tpu.pipeline_mode<synchronous>, transform_indices = @transform_2, window_bounds = array<i64: 128, 128>}, {transform_indices = @transform_3, window_bounds = array<i64: 2000, 128>}]} {
    %get3A = arith.constant 0 : index
    %get3A_0 = arith.constant 0 : index
    %get3A_1 = vector.load %arg1[%get3A, %get3A_0] : memref<2000x128xf32, #tpu.memory_space<vmem>>, vector<2000x128xf32>
    %get3A_2 = arith.constant 0 : index
    %get3A_3 = arith.constant 0 : index
    %get3A_4 = vector.load %arg2[%get3A_2, %get3A_3] : memref<2000x128xf32, #tpu.memory_space<vmem>>, vector<2000x128xf32>
    %add3A = arith.addf %get3A_1, %get3A_4 : vector<2000x128xf32>
    %get3A_5 = arith.constant 0 : index
    %get3A_6 = arith.constant 0 : index
    %get3A_7 = vector.load %arg3[%get3A_5, %get3A_6] : memref<128x128xf32, #tpu.memory_space<vmem>>, vector<128x128xf32>
    %dot_general3A = arith.constant dense<0.000000e+00> : vector<2000x128xf32>
    %dot_general3A_8 = tpu.matmul %add3A, %get3A_7, %dot_general3A {dimension_numbers = #tpu.dot_dimension_numbers<[1], [0], [0], [1], [0, 0, 1, 1], [], []>, transpose_lhs_hint = false} : vector<2000x128xf32>, vector<128x128xf32>, vector<2000x128xf32> -> vector<2000x128xf32>
    %swap3A = arith.constant 0 : index
    %swap3A_9 = arith.constant 0 : index
    %swap3A_10 = vector.load %arg4[%swap3A, %swap3A_9] : memref<2000x128xf32, #tpu.memory_space<vmem>>, vector<2000x128xf32>
    tpu.vector_store %arg4[%swap3A, %swap3A_9], %dot_general3A_8 {strides = array<i32>} : memref<2000x128xf32, #tpu.memory_space<vmem>>, vector<2000x128xf32>,
    return
  }
  func.func @transform_0(%arg0: i32) -> (i32, i32) {
    %c0_i32 = arith.constant 0 : i32
    %c0_i32_0 = arith.constant 0 : i32
    return %arg0, %c0_i32 : i32, i32
  }
  func.func @transform_1(%arg0: i32) -> (i32, i32) {
    %add3A = arith.constant 5 : i32
    %add3A_0 = arith.addi %arg0, %add3A : i32
    %c0_i32 = arith.constant 0 : i32
    %c0_i32_1 = arith.constant 0 : i32
    return %add3A_0, %c0_i32 : i32, i32
  }
  func.func @transform_2(%arg0: i32) -> (i32, i32) {
    %c0_i32 = arith.constant 0 : i32
    %c0_i32_0 = arith.constant 0 : i32
    %c0_i32_1 = arith.constant 0 : i32
    return %c0_i32, %c0_i32_0 : i32, i32
  }
  func.func @transform_3(%arg0: i32) -> (i32, i32) {
    %c0_i32 = arith.constant 0 : i32
    %c0_i32_0 = arith.constant 0 : i32
    return %arg0, %c0_i32 : i32, i32
  }
}

</mosaic_0001>

<sc_bundles>
// kernel: kernel.4.cloned.1.call-start
scs
__scs_entry_jumppad:
0x0: {  	(pc) =	sbr.rel $0x88, $3  }
0x1: {  	(tag) =	ssettag $0x0;
	lr =	simm.s32 $0x1  }
0x2: {  	[smem:$0x3F9E] =	sst lr;
	_ =	strace $0xD0000000  }
0x3: {  	_ = 	snop  }
0x4: {  	_ = 	snop  }
0x5: {  	_ = 	snop  }
0x6: {  	_ = 	snop  }
0x7: {  	_ = 	snop  }
__scs_overlays_trampoline_lowered:
0x8: {  	[smem:$0x3FAD] =	sst s0  }
0x9: {  	[smem:$0x3FAE] =	sst s1  }
0xa: {  	[smem:$0x3FAF] =	sst s2  }
0xb: {  	[smem:$0x3FB0] =	sst s3  }
0xc: {  	[smem:$0x3FB1] =	sst s4  }
0xd: {  	[smem:$0x3FB2] =	sst s5  }
0xe: {  	[smem:$0x3FB3] =	sst s6  }
0xf: {  	[smem:$0x3FB4] =	sst s7  }
0x10: {  	[smem:$0x3FB5] =	sst s8  }
0x11: {  	[smem:$0x3FB6] =	sst s9;
	s0 =	simm.s32 @!p0 $0x0  }
0x12: {  	s1 =	sld [smem:$0x3F9C];
	s0 =	simm.s32 @p0 $0x1  }
0x13: {  	[smem:$0x3FB7] =	sst s0;
	s0 =	simm.s32 @!p1 $0x0  }
0x14: {  	s2 =	sld [smem:$0x3F9B];
	s0 =	simm.s32 @p1 $0x1  }
0x15: {  	[smem:$0x3FB8] =	sst s0;
	s0 =	simm.s32 @!p2 $0x0  }
0x16: {  	s3 =	sld [smem:$0x3FDB];
	s0 =	simm.s32 @p2 $0x1  }
0x17: {  	s4 =	simm.s32 $0x1BF5;
	[smem:$0x3FBA] =	sst s0  }
0x18: {  	s0 =	sld [smem:$0x3F9D];
	_ =	swait.ge [sflag:s4], $0x0  }
0x19: {  	s7 =	sld [smem:$0x3F9E]  }
0x1a: {  	s8 =	sadd.s32 $0xFFFFE003, lr  }
0x1b: {  	s9 =	sadd.s32 $0xFFFFFEF7, lr;
	s5 =	simm.s32 $0xFFFFFFFF;
	p2 =	slt.u32 s8, $0xFFFFF086  }
0x1c: {  	p1 =	slt.u32 s9, $0xF7A;
	s5 =	simm.s32 @!p2 $0x0  }
0x1d: {  	s5 =	simm.s32 @p1 $0x1;
	p0 =	seq.s32 s7, s2  }
0x1e: {  	s7 =	smul.u32 @!p0 $0xF7A, s2;
	p2 =	seq.s32 @!p0 s5, $0x0  }
0x1f: {  	s9 =	smul.u32 $0xF7A, s1;
	s8 =	simm.s32 @!p0 $0x1BF5;
	p2 =	por !p2, p0  }
0x20: {  	[sflag:s8] =	ssyncset.s32 @!p0 $0xFFFFF086;
	s6 =	sadd.s32 @!p0 s3, s7;
	s7 =	simm.s32 @!p0 $0x108  }
0x21: {  	s3 =	sadd.s32 s3, s9;
	s6 =	sadd.s32 @!p0 $0x88, s6;
	s7 =	simm.s32 @p2 $0x1082  }
0x22: {  	[simem:s7], [sflag:s8] =	dma.local @!p0 [hbm:s6], $0xF7A  }
0x23: {  	s9 =	sor.u32 $0xD0000000, s2;
	s6 =	simm.s32 $0x108;
	_ =	swait.ge @!p0 [sflag:s8], $0x0  }
0x24: {  	s3 =	sadd.s32 $0x88, s3;
	s6 =	simm.s32 @!p1 $0x1082;
	[sflag:s4] =	ssyncset.s32 $0xFFFFF086  }
0x25: {  	[simem:s6], [sflag:s4] =	dma.local [hbm:s3], $0xF7A  }
0x26: {  	[smem:$0x3F9E] =	sst s1;
	(tag) =	ssettag s2;
	_ =	strace s9  }
0x27: {  	s1 =	sld [smem:$0x3FAE]  }
0x28: {  	s2 =	sld [smem:$0x3FAF]  }
0x29: {  	s4 =	sld [smem:$0x3FB1]  }
0x2a: {  	p0 =	seq.s32 s5, $0x0;
	s5 =	sld [smem:$0x3FB2]  }
0x2b: {  	s6 =	sld [smem:$0x3FB3]  }
0x2c: {  	s7 =	sld [smem:$0x3FB4]  }
0x2d: {  	s3 =	simm.s32 $0x108;
	s8 =	sld [smem:$0x3FB5]  }
0x2e: {  	s3 =	simm.s32 @!p0 $0x1082;
	s9 =	sld [smem:$0x3FB6]  }
0x2f: {  	lr =	sadd.s32 s0, s3;
	s0 =	sld [smem:$0x3FAD]  }
0x30: {  	s3 =	sld [smem:$0x3FB0]  }
0x31: {  	[smem:$0x3FB9] =	sst s10  }
0x32: {  	s10 =	sld [smem:$0x3FB7];
	_ =	sdelay $0x3  }
0x33: {  	p0 =	seq.s32 s10, $0x1;
	s10 =	sld [smem:$0x3FB9];
	_ =	sdelay $0x3  }
0x34: {  	[smem:$0x3FB9] =	sst s10  }
0x35: {  	s10 =	sld [smem:$0x3FB8];
	_ =	sdelay $0x3  }
0x36: {  	p1 =	seq.s32 s10, $0x1;
	s10 =	sld [smem:$0x3FB9];
	_ =	sdelay $0x3  }
0x37: {  	[smem:$0x3FB9] =	sst s10  }
0x38: {  	s10 =	sld [smem:$0x3FBA]  }
0x39: {  	_ = 	snop;
	(pc) =	sbr.ind lr, $3  }
0x3a: {  	_ = 	snop  }
0x3b: {  	_ = 	snop  }
0x3c: {  	p2 =	seq.s32 s10, $0x1;
	s10 =	sld [smem:$0x3FB9]  }
0x3d: {  	_ =	shalt  }
0x3e: {  	_ =	shalt  }
0x3f: {  	_ =	shalt  }
0x40: {  	_ =	shalt  }
0x41: {  	_ =	shalt  }
0x42: {  	_ =	shalt  }
0x43: {  	_ =	shalt  }
0x44: {  	_ =	shalt  }
0x45: {  	_ =	shalt  }
0x46: {  	_ =	shalt  }
0x47: {  	_ =	shalt  }
0x48: {  	_ =	shalt  }
0x49: {  	_ =	shalt  }
0x4a: {  	_ =	shalt  }
0x4b: {  	_ =	shalt  }
0x4c: {  	_ =	shalt  }
0x4d: {  	_ =	shalt  }
0x4e: {  	_ =	shalt  }
0x4f: {  	_ =	shalt  }
0x50: {  	_ =	shalt  }
0x51: {  	_ =	shalt  }
0x52: {  	_ =	shalt  }
0x53: {  	_ =	shalt  }
0x54: {  	_ =	shalt  }
0x55: {  	_ =	shalt  }
0x56: {  	_ =	shalt  }
0x57: {  	_ =	shalt  }
0x58: {  	_ =	shalt  }
0x59: {  	_ =	shalt  }
0x5a: {  	_ =	shalt  }
0x5b: {  	_ =	shalt  }
0x5c: {  	_ =	shalt  }
0x5d: {  	_ =	shalt  }
0x5e: {  	_ =	shalt  }
0x5f: {  	_ =	shalt  }
0x60: {  	_ =	shalt  }
0x61: {  	_ =	shalt  }
0x62: {  	_ =	shalt  }
0x63: {  	_ =	shalt  }
0x64: {  	_ =	shalt  }
0x65: {  	_ =	shalt  }
0x66: {  	_ =	shalt  }
0x67: {  	_ =	shalt  }
0x68: {  	_ =	shalt  }
0x69: {  	_ =	shalt  }
0x6a: {  	_ =	shalt  }
0x6b: {  	_ =	shalt  }
0x6c: {  	_ =	shalt  }
0x6d: {  	_ =	shalt  }
0x6e: {  	_ =	shalt  }
0x6f: {  	_ =	shalt  }
0x70: {  	_ =	shalt  }
0x71: {  	_ =	shalt  }
0x72: {  	_ =	shalt  }
0x73: {  	_ =	shalt  }
0x74: {  	_ =	shalt  }
0x75: {  	_ =	shalt  }
0x76: {  	_ =	shalt  }
0x77: {  	_ =	shalt  }
0x78: {  	_ =	shalt  }
0x79: {  	_ =	shalt  }
0x7a: {  	_ =	shalt  }
0x7b: {  	_ =	shalt  }
0x7c: {  	_ =	shalt  }
0x7d: {  	_ =	shalt  }
0x7e: {  	_ =	shalt  }
0x7f: {  	_ =	shalt  }
0x80: {  	_ =	shalt  }
0x81: {  	_ =	shalt  }
0x82: {  	_ =	shalt  }
0x83: {  	_ =	shalt  }
0x84: {  	_ =	shalt  }
0x85: {  	_ =	shalt  }
0x86: {  	_ =	shalt  }
0x87: {  	_ =	shalt  }
.Lfunc_end0:
.L_simem_size_0:
called_computation_lowered:
.L_overlay_start_0:
0x88: {  	s2 =	sld [smem:$0x3FD9]  }
0x89: {  	s3 =	sld [smem:$0x3FFE];
	_ =	sdelay $0x1  }
0x8a: {  	s1 =	srdreg.scid  }
0x8b: {  	s0 =	sand.u32 $0x1, s1  }
0x8c: {  	s17 =	sshll.u32 s0, $0xA;
	s2 =	sadd.s32 s3, s2  }
0x8d: {  	s2 =	sadd.s32 s2, s17  }
0x8e: {  	[smem:$0x3FC5] =	sst s2  }
0x8f: {  	_ = 	snop  }
0x90: {  	s2 =	sld [smem:$0x3FC9]  }
0x91: {  	s18 =	sld [smem:$0x3FD0];
	(tm) =	ssettm $0x1  }
0x92: {  	s4 =	sld [smem:$0x3FFB];
	_ =	sdelay $0x3  }
0x93: {  	_ =	strace s4  }
0x94: {  	s4 =	sld [smem:$0x3FFC];
	_ =	sdelay $0x3  }
0x95: {  	_ =	strace s4  }
0x96: {  	s4 =	sld [smem:$0x3FFD];
	_ =	sdelay $0x3  }
0x97: {  	_ =	strace s4  }
0x98: {  	_ =	strace $0x8FFFFFFF  }
0x99: {  	s19 =	sld [smem:$0x3FDB];
	_ =	sdelay $0x1  }
0x9a: {  	s5 =	simm.s32 $_scs_section_size  }
0x9b: {  	s6 =	simm.s32 $_size__tile_overlayer_lowered;
	s7 =	simm.s32 $_tile_overlayer_lowered  }
0x9c: {  	s22 =	simm.s32 $0x1BFF;
	s21 =	sshll.u32 s7, $0x1;
	s4 =	sadd.s32 s5, s19  }
0x9d: {  	s8 =	simm.s32 $0x0;
	s20 =	sshll.u32 s6, $0x1;
	s6 =	sadd.s32 s21, s4  }
0x9e: {  	[timem:s8], [sflag:s22] =	dma.local [hbm:s6], s20  }
0x9f: {  	_ =	swait.ge [sflag:s22], s20  }
0xa0: {  	s5 =	ssub.s32 $0x0, s20;
	[sflag:s22] =	ssyncset.done $0x0  }
0xa1: {  	[sflag:s22] =	ssyncadd.s32 s5;
	_ =	sdelay $0x1  }
0xa2: {  	s23 =	simm.s32 $0x1B8B  }
0xa3: {  	_ =	swait.ge [sflag:s23], $0x1  }
0xa4: {  	[sflag:s23] =	ssyncset.done $0x0  }
0xa5: {  	s25 =	simm.s32 $0x1B8E;
	s24 =	sld [smem:$0x3FFE];
	[sflag:s23] =	ssyncadd.s32 $0xFFFFFFFF  }
0xa6: {  	s26 =	simm.s32 $execute0_lowered;
	[smem:$0x3FD2] =	sst s25  }
0xa7: {  	s6 =	sshll.u32 s26, $0x1;
	_ =	strace $0x80000046;
	[dreg:$0x1] =	wrdreg $0xFFFFFFFF  }
0xa8: {  	s28 =	simm.s32 $_size_execute0_lowered;
	s4 =	sadd.s32 s4, s6;
	[dreg:$0x0] =	wrdreg $0x0  }
0xa9: {  	s6 =	sshll.u32 s28, $0x1;
	[dreg:$0x2] =	wrdreg s4  }
0xaa: {  	[dreg:$0x3] =	wrdreg s6  }
0xab: {  	[dreg:$0x4] =	wrdreg $0xC0  }
0xac: {  	_ =	task [dreg:s8], $0x5FFFF  }
0xad: {  	[dreg:$0x1] =	wrdreg $0xFFFFFFFF  }
0xae: {  	[dreg:$0x0] =	wrdreg $0x60  }
0xaf: {  	[dreg:$0x2] =	wrdreg s2  }
0xb0: {  	[dreg:$0x3] =	wrdreg s24  }
0xb1: {  	[dreg:$0x4] =	wrdreg s18  }
0xb2: {  	[dreg:$0x5] =	wrdreg $0xC6000  }
0xb3: {  	[dreg:$0x6] =	wrdreg $0x9  }
0xb4: {  	_ =	task.clear_ibuf [dreg:s8], $0x7FFFF;
	_ =	strace $0x90000046  }
0xb5: {  	s29 =	simm.s32 $0x9;
	_ =	strace $0x80000048  }
0xb6: {  	_ =	swait.ge [sflag:s29], $0x1  }
0xb7: {  	[sflag:s29] =	ssyncadd.s32 $0xFFFFFFFF  }
0xb8: {  	_ =	strace $0x90000048  }
0xb9: {  	_ =	sfence  }
0xba: {  	s30 =	sld [smem:$0x0];
	_ =	sdelay $0x2  }
0xbb: {  	s31 =	sshll.u32 s1, $0xD;
	s1 =	sshrl.u32 s1, $0x2  }
0xbc: {  	s3 =	sand.u32 $0x4000, s31;
	s1 =	sadd.s32 s1, s30  }
0xbd: {  	s0 =	sor.u32 s3, s0;
	s1 =	sshll.u32 s1, $0x11  }
0xbe: {  	s0 =	sor.u32 s1, s0  }
0xbf: {  	s0 =	sadd.s32 $0x8F2B, s0  }
0xc0: {  	[sflag:s0] =	ssyncadd.remote.s32 $0x1  }
0xc1: {  	_ =	sfence.sel $0xFFFF  }
0xc2: {  	[dreg:$0x0] =	wrdreg $0xFFFFFFFF;
	(pc) =	sbr.abs _section_cstart, $3  }
0xc3: {  	[dreg:$0x1] =	wrdreg $0xFFFFFFFF  }
0xc4: {  	_ =	task.clear_ibuf [dreg:s8], $0x2FFFF;
	_ =	strace $0x9FFFFFFF  }
0xc5: {  	(tm) =	ssettm $0x7FFFFFFF  }
tec
execute0_lowered:
.L_overlay_start_1:
0x0: {  	(tag) =	ssettag $0x1  }
0x1: {  	s1 =	rddreg [dreg:$0x0]  }
0x2: {  	s0 =	rddreg [dreg:$0x1]  }
0x3: {  	s2 =	rddreg [dreg:$0x2]  }
0x4: {  	s3 =	rddreg [dreg:$0x3]  }
0x5: {  	s5 =	simm.s32 $0x0;
	s4 =	srdreg.scid;
	s14 =	stileid.u32  }
0x6: {  	s21 =	simm.s32 $0x380;
	s22 =	simm.s32 $0x400;
	s23 =	simm.s32 $0x200  }
0x7: {  	s24 =	simm.s32 $0x280;
	s25 =	simm.s32 $0x500;
	s26 =	simm.s32 $0x580  }
0x8: {  	s28 =	simm.s32 $0x3;
	s29 =	simm.s32 $0x8;
	s30 =	simm.s32 $0x4  }
0x9: {  	s31 =	simm.s32 $0x5;
	[smem:$0x7FF] =	sst s5;
	s16 =	smul.u32 $0x5000, s14  }
0xa: {  	s4 =	sand.u32 $0x1, s4;
	s6 =	sshll.u32 s14, $0x1;
	s13 =	smul.u32 $0x9C, s14  }
0xb: {  	s19 =	smul.u32 $0x280, s14;
	_ =	strace $0x80000047;
	[dreg:$0x6] =	wrdreg s21  }
0xc: {  	p0 =	slt.u32 s14, $0xA;
	s7 =	smul.u32 $0x27100, s4;
	[dreg:$0x7] =	wrdreg s22  }
0xd: {  	s8 =	ssub.s32 $0x2, s4;
	s9 =	sor.u32 s4, s6;
	[dreg:$0x8] =	wrdreg s23  }
0xe: {  	s6 =	sadd.s32 $0xA00, s0;
	s4 =	smul.u32 $0x4E, s4;
	[dreg:$0x9] =	wrdreg s24  }
0xf: {  	s21 =	simm.s32 $0x8600;
	s22 =	simm.s32 $0x9;
	[dreg:$0xa] =	wrdreg s25  }
0x10: {  	s23 =	simm.s32 $0x180;
	s24 =	simm.s32 $0x480;
	[dreg:$0xb] =	wrdreg s26  }
0x11: {  	s25 =	simm.s32 $0x1;
	s26 =	simm.s32 $0x2;
	s10 =	sshrl.u32 s8, $0x1  }
0x12: {  	s11 =	smul.u32 $0x4E, s9;
	s9 =	smin.u32 s9, $0x4;
	s20 =	sshrl.u32 s16, $0x2  }
0x13: {  	s16 =	simm.s32 $0x300;
	s0 =	sadd.s32 s7, s0;
	s7 =	simm.s32 $0x10  }
0x14: {  	s8 =	ssub.s32 s8, s10;
	s15 =	sadd.s32 s9, s11;
	s7 =	simm.s32 @!p0 $0xF  }
0x15: {  	s8 =	smax.u32 s8, $0x1;
	s9 =	sadd.s32 s13, s9;
	s13 =	sadd.s32 s20, s3  }
0x16: {  	s0 =	sadd.s32 s19, s0;
	s19 =	simm.s32 $0x4600;
	s20 =	simm.s32 $0x100  }
0x17: {  	p0 =	sgt.u32 s14, $0x1;
	s10 =	sshll.u32 s15, $0x4;
	[dreg:$0x10] =	wrdreg s8  }
0x18: {  	s4 =	sadd.s32 s4, s9;
	s11 =	sadd.s32 $0xA800, s0;
	s15 =	simm.s32 $0x600  }
0x19: {  	s12 =	sadd.s32 s6, s10;
	s17 =	sadd.s32 $0x30, s10;
	[dreg:$0x5] =	wrdreg s4  }
0x1a: {  	s10 =	sadd.s32 s2, s10;
	[dreg:$0xc] =	wrdreg s12;
	s18 =	sand.u32 $0x1FFFFFF0, s17  }
0x1b: {  	s0 =	simm.s32 $0x6;
	[dreg:$0xd] =	wrdreg s10;
	s12 =	sadd.s32 s6, s18  }
0x1c: {  	s4 =	simm.s32 $0x0;
	s10 =	sadd.s32 s2, s18;
	[dreg:$0xe] =	wrdreg s12  }
0x1d: {  	v0 =	vimm.f32 $0.0e+00;
	s17 =	simm.s32 $0x7;
	s18 =	simm.s32 $0x80;
	[dreg:$0xf] =	wrdreg s10  }
.LBB2_1:
0x1e: {  	s8 =	sand.u32 $0x7E00, s5  }
0x1f: {  	s9 =	sand.u32 $0x70, s5;
	s10 =	sshrl.u32 s8, $0x2  }
0x20: {  	s8 =	simm.s32 $0x40;
	s10 =	sor.u32 s9, s10;
	s9 =	simm.s32 $0x0  }
.LBB2_2:
0x21: {  	p1 =	sne.s32 s8, $0x4FC0  }
0x22: {  	[tilespmem:s10+$0x600] =	vst v0;
	s9 =	sadd.s32 $0x10, s9;
	s10 =	smov.u32 s8;
	s8 =	sadd.s32 $0x40, s8  }
.Ltmp0:
0x23: {  	(pc) =	sbr.rel @p1 .LBB2_2-.Ltmp0, $4  }
0x24: {  	_ = 	snop  }
0x25: {  	s10 =	sand.u32 $0x7E00, s10  }
0x26: {  	s14 =	sand.u32 $0x70, s9;
	s10 =	sshrl.u32 s10, $0x2  }
0x27: {  	s10 =	sor.u32 s14, s10  }
0x28: {  	p1 =	sne.s32 s7, $0x1  }
.Ltmp1:
0x29: {  	_ = 	snop;
	(pc) =	sbr.rel @!p1 .LBB2_5-.Ltmp1, $3  }
0x2a: {  	_ =	sdelay $0x1  }
0x2b: {  	[tilespmem:s10+$0x600] =	vst v0;
	s8 =	sadd.s32 $0xFFFFFFFF, s7;
	s9 =	smov.u32 s13  }
0x2c: {  	[spmem:s13] =	stream.linear.scatter [tilespmem:s15], [sflag:$0x9], $0x1400, $0x38;
	[tilespmem:$0x1FE80] =	vst v63  }
.LBB2_4:
0x2d: {  	p2 =	sne.s32 s8, $0x1  }
.Ltmp2:
0x2e: {  	_ = 	snop;
	(pc) =	sbr.rel @p2 .LBB2_4-.Ltmp2, $3  }
0x2f: {  	_ = 	snop  }
0x30: {  	s8 =	sadd.s32 $0xFFFFFFFF, s8;
	s9 =	sadd.s32 $0x14000, s9;
	_ =	sdelay $0x1  }
0x31: {  	[spmem:s9] =	stream.linear.scatter [tilespmem:s15], [sflag:$0x9], $0x1400, $0x38;
	[tilespmem:$0x1FE80] =	vst v63  }
.LBB2_5:
0x32: {  	s8 =	rddreg [dreg:$0xc]  }
0x33: {  	[tilespmem:s5], [sflag:$0x7] =	stream.linear.gather [hbm4b:s8+s5], $0x180, $0x38;
	[tilespmem:$0x1FE80] =	vst v63  }
0x34: {  	s14 =	rddreg [dreg:$0xd]  }
0x35: {  	[tilespmem:s16], [sflag:$0x7] =	stream.linear.gather [hbm4b:s14+s5], $0x180, $0x38;
	[tilespmem:$0x1FE80] =	vst v63  }
0x36: {  	_ =	swait.ge [sflag:s17], $0x180  }
0x37: {  	[sflag:s17] =	ssyncset.done $0x0  }
0x38: {  	[sflag:s17] =	ssyncadd.s32 $0xFFFFFE80  }
0x39: {  	_ =	swait.ge [sflag:s17], $0x180  }
0x3a: {  	[sflag:s17] =	ssyncset.done $0x0  }
0x3b: {  	[sflag:s17] =	ssyncadd.s32 $0xFFFFFE80  }
0x3c: {  	[tilespmem:s19], [sflag:$0x2] =	stream.indirect.gather [hbm4b:s1+s18], $0x80, s18, s18, $0xb8;
	[tilespmem:$0x1FE80] =	vst v63  }
.Ltmp3:
0x3d: {  	_ = 	snop;
	(pc) =	sbr.rel @!p1 .LBB2_7-.Ltmp3, $4  }
0x3e: {  	_ = 	snop  }
0x3f: {  	[tilespmem:s21], [sflag:$0x3] =	stream.indirect.gather [hbm4b:s1+s18], $0x80, s20, s18, $0xb8;
	[tilespmem:$0x1FE80] =	vst v63  }
0x40: {  	_ =	swait.ge [sflag:s22], $0x1400  }
0x41: {  	s8 =	sadd.s32 $0xFFFFFFFF, s7;
	[sflag:s22] =	ssyncset.done $0x0  }
.LBB2_6:
0x42: {  	p2 =	sne.s32 s8, $0x1;
	s8 =	sadd.s32 $0xFFFFFFFF, s8;
	[sflag:s22] =	ssyncadd.s32 $0xFFFFEC00  }
.Ltmp4:
0x43: {  	(pc) =	sbr.rel @p2 .LBB2_6-.Ltmp4, $3  }
0x44: {  	_ =	sdelay $0x1  }
0x45: {  	_ =	swait.ge [sflag:s22], $0x1400  }
0x46: {  	[sflag:s22] =	ssyncset.done $0x0  }
.LBB2_7:
0x47: {  	[sflag:s22] =	ssyncadd.s32 $0xFFFFEC00  }
0x48: {  	[tilespmem:s15], [sflag:$0x1] =	stream.indirect.gather [hbm4b:s1+s18], $0x80, s5, s18, $0xb8;
	[tilespmem:$0x1FE80] =	vst v63  }
0x49: {  	s8 =	rddreg [dreg:$0xe]  }
0x4a: {  	[tilespmem:s23], [sflag:$0x8] =	stream.linear.gather [hbm4b:s8+s5], $0x180, $0x38;
	[tilespmem:$0x1FE80] =	vst v63  }
0x4b: {  	s10 =	rddreg [dreg:$0xf]  }
0x4c: {  	[tilespmem:s24], [sflag:$0x8] =	stream.linear.gather [hbm4b:s10+s5], $0x180, $0x38;
	[tilespmem:$0x1FE80] =	vst v63  }
0x4d: {  	[bflag:$0x0] =	sbarrier.arrive $0xFFFF  }
0x4e: {  	_ =	swait.ge [sflag:s25], $0x4000  }
0x4f: {  	[sflag:s25] =	ssyncset.done $0x0  }
0x50: {  	[sflag:s25] =	ssyncadd.s32 $0xFFFFC000  }
0x51: {  	[spmem:s3] =	stream.indirect.scatter.add.f32 [tilespmem:s15], [sflag:$0x4], $0x80, s16, s18, $0xb8;
	[tilespmem:$0x1FE80] =	vst v63  }
0x52: {  	_ =	swait.ge [sflag:s26], $0x4000  }
0x53: {  	[sflag:s26] =	ssyncset.done $0x0  }
0x54: {  	s12 =	rddreg [dreg:$0x6];
	[sflag:s26] =	ssyncadd.s32 $0xFFFFC000  }
0x55: {  	[spmem:s3] =	stream.indirect.scatter.add.f32 [tilespmem:s19], [sflag:$0x5], $0x80, s12, s18, $0xb8;
	[tilespmem:$0x1FE80] =	vst v63  }
0x56: {  	_ =	swait.ge [sflag:s28], $0x4000  }
0x57: {  	[sflag:s28] =	ssyncset.done $0x0  }
0x58: {  	s14 =	rddreg [dreg:$0x7];
	[sflag:s28] =	ssyncadd.s32 $0xFFFFC000  }
0x59: {  	[spmem:s3] =	stream.indirect.scatter.add.f32 [tilespmem:s21], [sflag:$0x6], $0x80, s14, s18, $0xb8;
	[tilespmem:$0x1FE80] =	vst v63  }
0x5a: {  	_ =	swait.ge [sflag:s29], $0x180  }
0x5b: {  	[sflag:s29] =	ssyncset.done $0x0  }
0x5c: {  	[sflag:s29] =	ssyncadd.s32 $0xFFFFFE80  }
0x5d: {  	_ =	swait.ge [sflag:s29], $0x180  }
0x5e: {  	[sflag:s29] =	ssyncset.done $0x0  }
0x5f: {  	[sflag:s29] =	ssyncadd.s32 $0xFFFFFE80  }
0x60: {  	_ =	swait.ge [sflag:s30], $0x4000  }
0x61: {  	[sflag:s30] =	ssyncset.done $0x0  }
0x62: {  	[sflag:s30] =	ssyncadd.s32 $0xFFFFC000  }
0x63: {  	[tilespmem:s15], [sflag:$0x1] =	stream.indirect.gather [hbm4b:s1+s18], $0x80, s23, s18, $0xb8;
	[tilespmem:$0x1FE80] =	vst v63  }
0x64: {  	_ =	swait.ge [sflag:s31], $0x4000  }
0x65: {  	[sflag:s31] =	ssyncset.done $0x0  }
0x66: {  	s9 =	rddreg [dreg:$0x8];
	[sflag:s31] =	ssyncadd.s32 $0xFFFFC000  }
0x67: {  	[tilespmem:s19], [sflag:$0x2] =	stream.indirect.gather [hbm4b:s1+s18], $0x80, s9, s18, $0xb8;
	[tilespmem:$0x1FE80] =	vst v63  }
0x68: {  	_ =	swait.ge [sflag:s0], $0x4000  }
0x69: {  	s10 =	rddreg [dreg:$0x5]  }
0x6a: {  	[sflag:s0] =	ssyncset.done $0x0;
	s8 =	sadd.s32 $0xFFFFFFB2, s10  }
0x6b: {  	s10 =	rddreg [dreg:$0x9];
	[sflag:s0] =	ssyncadd.s32 $0xFFFFC000;
	s9 =	sadd.s32 $0x54, s8  }
0x6c: {  	[tilespmem:s21], [sflag:$0x3] =	stream.indirect.gather [hbm4b:s1+s18], $0x80, s10, s18, $0xb8;
	[tilespmem:$0x1FE80] =	vst v63  }
0x6d: {  	p2 =	slt.s32 s9, $0x9C1  }
0x6e: {  	s9 =	simm.s32 @!p2 $0x9C1  }
0x6f: {  	s9 =	sshll.u32 s9, $0x4  }
0x70: {  	s9 =	sand.u32 $0x1FFFFFF0, s9  }
0x71: {  	s12 =	sadd.s32 s6, s9  }
0x72: {  	[tilespmem:s5], [sflag:$0x7] =	stream.linear.gather [hbm4b:s12+s5], $0x180, $0x38;
	[tilespmem:$0x1FE80] =	vst v63  }
0x73: {  	s9 =	sadd.s32 s2, s9  }
0x74: {  	[tilespmem:s16], [sflag:$0x7] =	stream.linear.gather [hbm4b:s9+s5], $0x180, $0x38;
	[tilespmem:$0x1FE80] =	vst v63  }
0x75: {  	_ =	swait.ge [sflag:s25], $0x4000  }
0x76: {  	[sflag:s25] =	ssyncset.done $0x0  }
0x77: {  	[sflag:s25] =	ssyncadd.s32 $0xFFFFC000  }
0x78: {  	[spmem:s3] =	stream.indirect.scatter.add.f32 [tilespmem:s15], [sflag:$0x4], $0x80, s24, s18, $0xb8;
	[tilespmem:$0x1FE80] =	vst v63  }
0x79: {  	_ =	swait.ge [sflag:s26], $0x4000  }
0x7a: {  	[sflag:s26] =	ssyncset.done $0x0  }
0x7b: {  	s14 =	rddreg [dreg:$0xa];
	[sflag:s26] =	ssyncadd.s32 $0xFFFFC000  }
0x7c: {  	[spmem:s3] =	stream.indirect.scatter.add.f32 [tilespmem:s19], [sflag:$0x5], $0x80, s14, s18, $0xb8;
	[tilespmem:$0x1FE80] =	vst v63  }
0x7d: {  	_ =	swait.ge [sflag:s28], $0x4000  }
0x7e: {  	[sflag:s28] =	ssyncset.done $0x0  }
0x7f: {  	s10 =	rddreg [dreg:$0xb];
	[sflag:s28] =	ssyncadd.s32 $0xFFFFC000  }
0x80: {  	[spmem:s3] =	stream.indirect.scatter.add.f32 [tilespmem:s21], [sflag:$0x6], $0x80, s10, s18, $0xb8;
	[tilespmem:$0x1FE80] =	vst v63  }
0x81: {  	_ =	swait.ge [sflag:s17], $0x180  }
0x82: {  	[sflag:s17] =	ssyncset.done $0x0  }
0x83: {  	[sflag:s17] =	ssyncadd.s32 $0xFFFFFE80  }
0x84: {  	_ =	swait.ge [sflag:s17], $0x180  }
0x85: {  	[sflag:s17] =	ssyncset.done $0x0  }
0x86: {  	[sflag:s17] =	ssyncadd.s32 $0xFFFFFE80  }
0x87: {  	_ =	swait.ge [sflag:s30], $0x4000  }
0x88: {  	[sflag:s30] =	ssyncset.done $0x0  }
0x89: {  	[sflag:s30] =	ssyncadd.s32 $0xFFFFC000  }
0x8a: {  	[tilespmem:s15], [sflag:$0x1] =	stream.indirect.gather [hbm4b:s1+s18], $0x80, s5, s18, $0xb8;
	[tilespmem:$0x1FE80] =	vst v63  }
0x8b: {  	s8 =	sadd.s32 $0x57, s8;
	_ =	swait.ge [sflag:s31], $0x4000  }
0x8c: {  	p2 =	slt.s32 s8, $0x9C1;
	[sflag:s31] =	ssyncset.done $0x0  }
0x8d: {  	s8 =	simm.s32 @!p2 $0x9C1;
	[sflag:s31] =	ssyncadd.s32 $0xFFFFC000  }
0x8e: {  	[tilespmem:s19], [sflag:$0x2] =	stream.indirect.gather [hbm4b:s1+s18], $0x80, s18, s18, $0xb8;
	[tilespmem:$0x1FE80] =	vst v63  }
0x8f: {  	s8 =	sshll.u32 s8, $0x4;
	_ =	swait.ge [sflag:s0], $0x4000  }
0x90: {  	s12 =	sand.u32 $0x1FFFFFF0, s8;
	s8 =	simm.s32 $0xFFFFFFB8;
	[sflag:s0] =	ssyncset.done $0x0  }
0x91: {  	s14 =	sadd.s32 s6, s12;
	s10 =	sadd.s32 s2, s12;
	[sflag:s0] =	ssyncadd.s32 $0xFFFFC000  }
0x92: {  	[tilespmem:s21], [sflag:$0x3] =	stream.indirect.gather [hbm4b:s1+s18], $0x80, s20, s18, $0xb8;
	[tilespmem:$0x1FE80] =	vst v63  }
.LBB2_8:
0x93: {  	[tilespmem:s23], [sflag:$0x8] =	stream.linear.gather [hbm4b:s14+s5], $0x180, $0x38;
	[tilespmem:$0x1FE80] =	vst v63  }
0x94: {  	_ = 	snop  }
0x95: {  	[tilespmem:s24], [sflag:$0x8] =	stream.linear.gather [hbm4b:s10+s5], $0x180, $0x38;
	[tilespmem:$0x1FE80] =	vst v63  }
0x96: {  	_ =	swait.ge [sflag:s25], $0x4000  }
0x97: {  	[sflag:s25] =	ssyncset.done $0x0  }
0x98: {  	[sflag:s25] =	ssyncadd.s32 $0xFFFFC000  }
0x99: {  	[spmem:s3] =	stream.indirect.scatter.add.f32 [tilespmem:s15], [sflag:$0x4], $0x80, s16, s18, $0xb8;
	[tilespmem:$0x1FE80] =	vst v63  }
0x9a: {  	_ =	swait.ge [sflag:s26], $0x4000  }
0x9b: {  	[sflag:s26] =	ssyncset.done $0x0  }
0x9c: {  	s12 =	rddreg [dreg:$0x6];
	[sflag:s26] =	ssyncadd.s32 $0xFFFFC000  }
0x9d: {  	[spmem:s3] =	stream.indirect.scatter.add.f32 [tilespmem:s19], [sflag:$0x5], $0x80, s12, s18, $0xb8;
	[tilespmem:$0x1FE80] =	vst v63  }
0x9e: {  	_ =	swait.ge [sflag:s28], $0x4000  }
0x9f: {  	[sflag:s28] =	ssyncset.done $0x0  }
0xa0: {  	s14 =	rddreg [dreg:$0x7];
	[sflag:s28] =	ssyncadd.s32 $0xFFFFC000  }
0xa1: {  	[spmem:s3] =	stream.indirect.scatter.add.f32 [tilespmem:s21], [sflag:$0x6], $0x80, s14, s18, $0xb8;
	[tilespmem:$0x1FE80] =	vst v63  }
0xa2: {  	_ =	swait.ge [sflag:s29], $0x180  }
0xa3: {  	[sflag:s29] =	ssyncset.done $0x0  }
0xa4: {  	[sflag:s29] =	ssyncadd.s32 $0xFFFFFE80  }
0xa5: {  	_ =	swait.ge [sflag:s29], $0x180  }
0xa6: {  	[sflag:s29] =	ssyncset.done $0x0  }
0xa7: {  	[sflag:s29] =	ssyncadd.s32 $0xFFFFFE80  }
0xa8: {  	_ =	swait.ge [sflag:s30], $0x4000  }
0xa9: {  	[sflag:s30] =	ssyncset.done $0x0  }
0xaa: {  	[sflag:s30] =	ssyncadd.s32 $0xFFFFC000  }
0xab: {  	[tilespmem:s15], [sflag:$0x1] =	stream.indirect.gather [hbm4b:s1+s18], $0x80, s23, s18, $0xb8;
	[tilespmem:$0x1FE80] =	vst v63  }
0xac: {  	_ =	swait.ge [sflag:s31], $0x4000  }
0xad: {  	[sflag:s31] =	ssyncset.done $0x0  }
0xae: {  	s12 =	rddreg [dreg:$0x8];
	[sflag:s31] =	ssyncadd.s32 $0xFFFFC000  }
0xaf: {  	[tilespmem:s19], [sflag:$0x2] =	stream.indirect.gather [hbm4b:s1+s18], $0x80, s12, s18, $0xb8;
	[tilespmem:$0x1FE80] =	vst v63  }
0xb0: {  	_ =	swait.ge [sflag:s0], $0x4000  }
0xb1: {  	s9 =	smov.u32 s8;
	s14 =	rddreg [dreg:$0x5]  }
0xb2: {  	[sflag:s0] =	ssyncset.done $0x0;
	s9 =	sadd.s32 s9, s14  }
0xb3: {  	s14 =	rddreg [dreg:$0x9];
	[sflag:s0] =	ssyncadd.s32 $0xFFFFC000;
	s10 =	sadd.s32 $0x54, s9  }
0xb4: {  	[tilespmem:s21], [sflag:$0x3] =	stream.indirect.gather [hbm4b:s1+s18], $0x80, s14, s18, $0xb8;
	[tilespmem:$0x1FE80] =	vst v63  }
0xb5: {  	p3 =	slt.s32 s10, $0x9C1  }
0xb6: {  	s10 =	simm.s32 @!p3 $0x9C1  }
0xb7: {  	s10 =	sshll.u32 s10, $0x4  }
0xb8: {  	s10 =	sand.u32 $0x1FFFFFF0, s10  }
0xb9: {  	s12 =	sadd.s32 s6, s10  }
0xba: {  	[tilespmem:s5], [sflag:$0x7] =	stream.linear.gather [hbm4b:s12+s5], $0x180, $0x38;
	[tilespmem:$0x1FE80] =	vst v63  }
0xbb: {  	s10 =	sadd.s32 s2, s10  }
0xbc: {  	[tilespmem:s16], [sflag:$0x7] =	stream.linear.gather [hbm4b:s10+s5], $0x180, $0x38;
	[tilespmem:$0x1FE80] =	vst v63  }
0xbd: {  	_ =	swait.ge [sflag:s25], $0x4000  }
0xbe: {  	[sflag:s25] =	ssyncset.done $0x0  }
0xbf: {  	[sflag:s25] =	ssyncadd.s32 $0xFFFFC000  }
0xc0: {  	[spmem:s3] =	stream.indirect.scatter.add.f32 [tilespmem:s15], [sflag:$0x4], $0x80, s24, s18, $0xb8;
	[tilespmem:$0x1FE80] =	vst v63  }
0xc1: {  	_ =	swait.ge [sflag:s26], $0x4000  }
0xc2: {  	[sflag:s26] =	ssyncset.done $0x0  }
0xc3: {  	s12 =	rddreg [dreg:$0xa];
	[sflag:s26] =	ssyncadd.s32 $0xFFFFC000  }
0xc4: {  	[spmem:s3] =	stream.indirect.scatter.add.f32 [tilespmem:s19], [sflag:$0x5], $0x80, s12, s18, $0xb8;
	[tilespmem:$0x1FE80] =	vst v63  }
0xc5: {  	_ =	swait.ge [sflag:s28], $0x4000  }
0xc6: {  	[sflag:s28] =	ssyncset.done $0x0  }
0xc7: {  	s14 =	rddreg [dreg:$0xb];
	[sflag:s28] =	ssyncadd.s32 $0xFFFFC000  }
0xc8: {  	[spmem:s3] =	stream.indirect.scatter.add.f32 [tilespmem:s21], [sflag:$0x6], $0x80, s14, s18, $0xb8;
	[tilespmem:$0x1FE80] =	vst v63  }
0xc9: {  	_ =	swait.ge [sflag:s17], $0x180  }
0xca: {  	[sflag:s17] =	ssyncset.done $0x0  }
0xcb: {  	[sflag:s17] =	ssyncadd.s32 $0xFFFFFE80  }
0xcc: {  	_ =	swait.ge [sflag:s17], $0x180  }
0xcd: {  	[sflag:s17] =	ssyncset.done $0x0  }
0xce: {  	[sflag:s17] =	ssyncadd.s32 $0xFFFFFE80  }
0xcf: {  	_ =	swait.ge [sflag:s30], $0x4000  }
0xd0: {  	[sflag:s30] =	ssyncset.done $0x0  }
0xd1: {  	[sflag:s30] =	ssyncadd.s32 $0xFFFFC000  }
0xd2: {  	[tilespmem:s15], [sflag:$0x1] =	stream.indirect.gather [hbm4b:s1+s18], $0x80, s5, s18, $0xb8;
	[tilespmem:$0x1FE80] =	vst v63  }
0xd3: {  	_ =	swait.ge [sflag:s31], $0x4000  }
0xd4: {  	s9 =	sadd.s32 $0x57, s9;
	[sflag:s31] =	ssyncset.done $0x0  }
0xd5: {  	p2 =	sne.s32 s8, $0xFFFFFFFA;
	p4 =	slt.s32 s9, $0x9C1;
	[sflag:s31] =	ssyncadd.s32 $0xFFFFC000  }
0xd6: {  	[tilespmem:s19], [sflag:$0x2] =	stream.indirect.gather [hbm4b:s1+s18], $0x80, s18, s18, $0xb8;
	[tilespmem:$0x1FE80] =	vst v63  }
.Ltmp5:
0xd7: {  	s9 =	simm.s32 @!p4 $0x9C1;
	(pc) =	sbr.rel @p2 .LBB2_8-.Ltmp5, $4  }
0xd8: {  	s9 =	sshll.u32 s9, $0x4;
	_ =	swait.ge [sflag:s0], $0x4000  }
0xd9: {  	s8 =	sadd.s32 $0x6, s8;
	s9 =	sand.u32 $0x1FFFFFF0, s9;
	[sflag:s0] =	ssyncset.done $0x0  }
0xda: {  	s10 =	sadd.s32 s2, s9;
	s14 =	sadd.s32 s6, s9;
	[sflag:s0] =	ssyncadd.s32 $0xFFFFC000  }
0xdb: {  	[tilespmem:s21], [sflag:$0x3] =	stream.indirect.gather [hbm4b:s1+s18], $0x80, s20, s18, $0xb8;
	[tilespmem:$0x1FE80] =	vst v63  }
0xdc: {  	[tilespmem:s23], [sflag:$0x8] =	stream.linear.gather [hbm4b:s14+s5], $0x180, $0x38;
	[tilespmem:$0x1FE80] =	vst v63  }
0xdd: {  	_ = 	snop  }
0xde: {  	[tilespmem:s24], [sflag:$0x8] =	stream.linear.gather [hbm4b:s10+s5], $0x180, $0x38;
	[tilespmem:$0x1FE80] =	vst v63  }
0xdf: {  	_ =	swait.ge [sflag:s25], $0x4000  }
0xe0: {  	[sflag:s25] =	ssyncset.done $0x0  }
0xe1: {  	[sflag:s25] =	ssyncadd.s32 $0xFFFFC000  }
0xe2: {  	_ =	swait.ge [sflag:s26], $0x4000  }
0xe3: {  	[sflag:s26] =	ssyncset.done $0x0  }
0xe4: {  	[sflag:s26] =	ssyncadd.s32 $0xFFFFC000  }
0xe5: {  	_ =	swait.ge [sflag:s28], $0x4000  }
0xe6: {  	[sflag:s28] =	ssyncset.done $0x0  }
0xe7: {  	[sflag:s28] =	ssyncadd.s32 $0xFFFFC000  }
0xe8: {  	_ =	swait.ge [sflag:s29], $0x180  }
0xe9: {  	[sflag:s29] =	ssyncset.done $0x0  }
0xea: {  	[sflag:s29] =	ssyncadd.s32 $0xFFFFFE80  }
0xeb: {  	_ =	swait.ge [sflag:s29], $0x180  }
0xec: {  	s8 =	simm.s32 @!p0 $0x80;
	[sflag:s29] =	ssyncset.done $0x0  }
0xed: {  	s9 =	simm.s32 @!p0 $0x300;
	s10 =	simm.s32 @!p0 $0x600;
	[sflag:s29] =	ssyncadd.s32 $0xFFFFFE80  }
0xee: {  	[spmem:s3] =	stream.indirect.scatter.add.f32 @!p0 [tilespmem:s10], [sflag:$0x4], $0x80, s9, s8, $0xb8;
	[tilespmem:$0x1FE80] =	vst v63  }
0xef: {  	s8 =	simm.s32 @!p0 $0x4  }
0xf0: {  	_ =	swait.ge @!p0 [sflag:s8], $0x4000  }
.Ltmp6:
0xf1: {  	s12 =	stileid.u32;
	[sflag:s8] =	ssyncset.done @!p0 $0x0;
	(pc) =	sbr.rel @!p1 .LBB2_11-.Ltmp6, $4  }
0xf2: {  	[sflag:s8] =	ssyncadd.s32 @!p0 $0xFFFFC000;
	s8 =	sshll.u32 s12, $0x6  }
0xf3: {  	s14 =	sshrl.u32 s13, $0x3;
	[bflag:$0x0] =	sbarrier.arrive $0xFFFF;
	s8 =	sor.u32 $0x1C09, s8  }
0xf4: {  	[hbm:s11], [sflag:s8] =	dma.local [spmem:s14], $0x280  }
0xf5: {  	s9 =	sadd.s32 $0xFFFFFFFF, s7;
	s10 =	sadd.s32 $0x14000, s13;
	s14 =	smov.u32 s11  }
.LBB2_10:
0xf6: {  	p2 =	sne.s32 s9, $0x1;
	s9 =	sadd.s32 $0xFFFFFFFF, s9  }
.Ltmp7:
0xf7: {  	s12 =	sshrl.u32 s10, $0x3;
	s14 =	sadd.s32 $0x2800, s14;
	(pc) =	sbr.rel @p2 .LBB2_10-.Ltmp7, $3  }
0xf8: {  	[hbm:s14], [sflag:s8] =	dma.local [spmem:s12], $0x280  }
0xf9: {  	_ =	sdelay $0x1  }
0xfa: {  	s10 =	sadd.s32 $0x14000, s10  }
.LBB2_11:
.Ltmp8:
0xfb: {  	(pc) =	sbr.rel @!p1 .LBB2_13-.Ltmp8, $3  }
0xfc: {  	_ =	sdelay $0x1  }
0xfd: {  	_ =	swait.ge [sflag:s22], $0x280  }
0xfe: {  	s8 =	sadd.s32 $0xFFFFFFFF, s7;
	[sflag:s22] =	ssyncset.done $0x0  }
.LBB2_12:
0xff: {  	p1 =	sne.s32 s8, $0x1;
	s8 =	sadd.s32 $0xFFFFFFFF, s8;
	[sflag:s22] =	ssyncadd.s32 $0xFFFFFD80  }
.Ltmp9:
0x100: {  	(pc) =	sbr.rel @p1 .LBB2_12-.Ltmp9, $3  }
0x101: {  	_ =	sdelay $0x1  }
0x102: {  	_ =	swait.ge [sflag:s22], $0x280  }
0x103: {  	[sflag:s22] =	ssyncset.done $0x0  }
.LBB2_13:
0x104: {  	s4 =	sadd.s32 $0x1, s4;
	s8 =	rddreg [dreg:$0x10]  }
0x105: {  	p1 =	sne.s32 s4, s8  }
.Ltmp10:
0x106: {  	_ = 	snop;
	(pc) =	sbr.rel @p1 .LBB2_1-.Ltmp10, $2  }
0x107: {  	_ =	sdelay $0x2  }
0x108: {  	[sflag:s22] =	ssyncadd.s32 $0xFFFFFD80  }
0x109: {  	_ =	sfence.sel $0x180000  }
0x10a: {  	[bflag:$0x0] =	sbarrier.arrive $0xFFFF  }
0x10b: {  	_ =	strace $0x90000047  }
0x10c: {  	s0 =	stileid.u32;
	[bflag:$0x2] =	sbarrier.arrive $0xFFFF  }
0x10d: {  	p0 =	sne.s32 s0, $0x0;
	s0 =	rddreg [dreg:$0x4]  }
0x10e: {  	s0 =	sadd.s32 @!p0 $0x100000, s0  }
0x10f: {  	[sflag:s0] =	ssyncadd.tile.s32 @!p0 $0x1;
	_ =	shalt  }
.Lfunc_end2:
_tile_overlayer_lowered:
.L_overlay_start_2:
0x110: {  	(tag) =	ssettag $0x2  }
0x111: {  	s0 =	rddreg [dreg:$0x0];
	s2 =	stileid.u32  }
0x112: {  	s1 =	rddreg [dreg:$0x1];
	p0 =	sne.s32 s2, $0x0  }
0x113: {  	s3 =	rddreg [dreg:$0x2];
	[bflag:$0x3] =	sbarrier.arrive $0xFFFF;
	s2 =	simm.s32 @!p0 $0x1C0A  }
0x114: {  	[timem:s3], [sflag:s2] =	dma.local @!p0 [hbm:s0], s1  }
0x115: {  	s0 =	simm.s32 @!p0 $0xA  }
0x116: {  	_ =	swait.ge @!p0 [sflag:s0], s1  }
0x117: {  	s1 =	ssub.s32 @!p0 $0x0, s1;
	[sflag:s0] =	ssyncset.done @!p0 $0x0  }
0x118: {  	[sflag:s0] =	ssyncadd.s32 @!p0 s1  }
0x119: {  	[bflag:$0x3] =	sbarrier.arrive $0xFFFF  }
0x11a: {  	_ =	shalt  }

</sc_bundles>
